<compile_context>
chip_gen: v7x
topology: tpu7x:2x2x1
jax: 0.10.2.dev20260603
libtpu: 0.0.44.dev20260713+nightly
codegen_flags: <defaults>
</compile_context>

<pallas_src>
import functools

import jax
import jax.numpy as jnp
from jax import lax
from jax.experimental import pallas as pl
from jax.experimental.pallas import tpu as pltpu
from jax.experimental.pallas import tpu_sc as plsc

L = 16
NCORE = 2
NSUB = 16
NW = NCORE * NSUB
BATCH = 128
NK = 32
OH = OW = 30
P = OH * OW
PCH = (P + L - 1) // L
XW = 3 * 32 * 32
XPAD = 3104
OUTW = NK * P
OUTPAD = OUTW + 16
B_PER_W = BATCH // NW


def _tec_body(x_hbm, w_hbm, ia_hbm, ib_hbm, out_hbm,
              x_v, w_v, idx_v, pos_v, coef_v, off_v, out_v):
    wid = lax.axis_index("s") * NCORE + lax.axis_index("c")

    pltpu.sync_copy(w_hbm, w_v)
    pltpu.sync_copy(ia_hbm, idx_v.at[pl.ds(0, NK)])
    pltpu.sync_copy(ib_hbm, idx_v.at[pl.ds(NK, NK)])

    lanes = lax.broadcasted_iota(jnp.int32, (L,), 0)

    def vdiv(v, d):
        return lax.div(v, jnp.full((L,), d, jnp.int32))

    def pos_body(pch, _):
        p = lanes + pch * L
        i = vdiv(p, OW)
        pos_v[pl.ds(pch * L, L)] = i * 32 + (p - i * OW)
        return 0
    lax.fori_loop(0, PCH, pos_body, 0)

    def off_body(q, _):
        iv = idx_v[pl.ds(q * L, L)]
        c = vdiv(iv, 9)
        r = iv - 9 * c
        h = vdiv(r, 3)
        off_v[pl.ds(q * L, L)] = c * 1024 + h * 32 + (r - 3 * h)
        return 0
    lax.fori_loop(0, (2 * NK) // L, off_body, 0)

    for q in range(NK // L):
        base = lanes * L + q * L * L
        z = jnp.zeros((L,), jnp.float32)
        acc = [z, z, z, z]
        for i in range(1, 16):
            col = plsc.load_gather(w_v, [base + i])
            if i & 8:
                acc[0] = acc[0] + col
            if i & 4:
                acc[1] = acc[1] + col
            if i & 2:
                acc[2] = acc[2] + col
            if i & 1:
                acc[3] = acc[3] + col
        c00, c01, c10, c11 = acc
        coef_v[pl.ds(q * L, L)] = c00
        coef_v[pl.ds(NK + q * L, L)] = c10 - c00
        coef_v[pl.ds(2 * NK + q * L, L)] = c01 - c00
        coef_v[pl.ds(3 * NK + q * L, L)] = c11 - c10 - c01 + c00

    def batch_body(bi, _):
        b = wid * B_PER_W + bi
        pltpu.sync_copy(x_hbm.at[b], x_v.at[pl.ds(0, XW)])

        def k_body(k, _):
            kv = jnp.full((L,), k, jnp.int32)
            c0 = plsc.load_gather(coef_v, [kv])
            ca = plsc.load_gather(coef_v, [kv + NK])
            cb = plsc.load_gather(coef_v, [kv + 2 * NK])
            cab = plsc.load_gather(coef_v, [kv + 3 * NK])
            offa = plsc.load_gather(off_v, [kv])
            offb = plsc.load_gather(off_v, [kv + NK])
            obase = k * P

            def p_body(pch, _):
                pos = pos_v[pl.ds(pch * L, L)]
                a = plsc.load_gather(x_v, [pos + offa])
                bb = plsc.load_gather(x_v, [pos + offb])
                out_v[pl.ds(obase + pch * L, L)] = (
                    c0 + ca * a + cb * bb + cab * (a * bb))
                return 0
            lax.fori_loop(0, PCH, p_body, 0)
            return 0
        lax.fori_loop(0, NK, k_body, 0)

        pltpu.sync_copy(out_v.at[pl.ds(0, OUTW)], out_hbm.at[b])
        return 0
    lax.fori_loop(0, B_PER_W, batch_body, 0)


_sc_call = functools.partial(
    pl.kernel,
    out_type=jax.ShapeDtypeStruct((BATCH, OUTW), jnp.float32),
    mesh=plsc.VectorSubcoreMesh(
        core_axis_name="c", subcore_axis_name="s",
        num_cores=NCORE, num_subcores=NSUB),
    compiler_params=pltpu.CompilerParams(needs_layout_passes=False),
    scratch_types=[
        pltpu.VMEM((XPAD,), jnp.float32),
        pltpu.VMEM((NK * 16,), jnp.float32),
        pltpu.VMEM((2 * NK,), jnp.int32),
        pltpu.VMEM((PCH * L,), jnp.int32),
        pltpu.VMEM((4 * NK,), jnp.float32),
        pltpu.VMEM((2 * NK,), jnp.int32),
        pltpu.VMEM((OUTPAD,), jnp.float32),
    ],
)(_tec_body)


@jax.jit
def kernel(x, weights, idx_a, idx_b):
    xf = x.reshape(BATCH, XW)
    wf = weights.reshape(NK * 16)
    out = _sc_call(xf, wf, idx_a.astype(jnp.int32), idx_b.astype(jnp.int32))
    return out.reshape(BATCH, NK, OH, OW)

# --- scband reference (transcript-rebuilt; emitter-appended) ---
"""Pipeline reference for scband-logic-conv-sparse-matrix-6897717477609 (READ-ONLY COPY).

The authoritative reference and input builder live on the scoring server;
editing this copy changes nothing except your own understanding.
"""

import jax, jax.numpy as jnp
import numpy as np

N_KERNELS = 32
RCF_H, RCF_W = 3, 3
IN_C = 3


def _make_pair_indices():
    k = np.arange(N_KERNELS)
    pairs_a = np.stack([k % 3, (k // 3) % 3, (k // 9) % 3], axis=1)      # [h, w, c]
    pairs_b = np.stack([(k + 1) % 3, (k // 3 + 1) % 3, (k // 9 + 2) % 3], axis=1)
    return pairs_a, pairs_b


def _flat_rf_idx(pairs):
    # rf_flat_idx = c * (rcf_h * rcf_w) + h * rcf_w + w, matching torch F.unfold layout
    return pairs[:, 2] * (RCF_H * RCF_W) + pairs[:, 0] * RCF_W + pairs[:, 1]


def setup_inputs(seed: int = 0) -> dict:
    key = jax.random.key(seed)
    x = jax.random.uniform(key, (128, IN_C, 32, 32), dtype=jnp.float32)
    row = jnp.array([0.0, 0.1, 0.05, 0.1, 0.05, 0.1, 0.05, 0.1,
                     0.05, 0.05, 0.05, 0.05, 0.05, 0.05, 0.05, 0.1], dtype=jnp.float32)
    weights = jnp.tile(row[None, :], (N_KERNELS, 1))  # matches init_kwargs weights
    pa, pb = _make_pair_indices()
    idx_a = jnp.asarray(_flat_rf_idx(pa), dtype=jnp.int32)
    idx_b = jnp.asarray(_flat_rf_idx(pb), dtype=jnp.int32)
    return {"x": x, "weights": weights, "idx_a": idx_a, "idx_b": idx_b}


def _unfold(x):
    # Replicates torch.nn.functional.unfold(x, (3, 3)): output (B, C*kh*kw, L)
    B, C, H, W = x.shape
    oh, ow = H - RCF_H + 1, W - RCF_W + 1
    patches = jnp.stack([x[:, :, i:i + oh, j:j + ow]
                         for i in range(RCF_H) for j in range(RCF_W)], axis=2)  # (B, C, kh*kw, oh, ow)
    return patches.reshape(B, C * RCF_H * RCF_W, oh * ow), oh, ow


def reference(x, weights, idx_a, idx_b):
    unfolded, oh, ow = _unfold(x)            # (B, rf_volume, num_positions)
    # sparse selector matmul == gather of rows of the unfolded tensor
    a = jnp.take(unfolded, idx_a, axis=1)    # (B, n_kernels, num_positions)
    b = jnp.take(unfolded, idx_b, axis=1)
    ab = a * b
    a_plus_b = a + b
    a_or_b = a_plus_b - ab
    ops = jnp.stack([
        jnp.zeros_like(a), ab, a - ab, a, b - ab, b,
        a_plus_b - 2 * ab, a_or_b, 1 - a_or_b, 1 - (a_plus_b - 2 * ab),
        1 - b, 1 - b + ab, 1 - a, 1 - a + ab, 1 - ab, jnp.ones_like(a)
    ], axis=-1)                              # (B, K, P, 16)
    out = (ops * weights.reshape(1, N_KERNELS, 1, 16)).sum(axis=-1)
    B = x.shape[0]
    return out.reshape(B, N_KERNELS, oh, ow)

if __name__ == "__main__":
    import jax
    _d = setup_inputs()
    print(jax.jit(kernel)(*tuple(_d.values())))

</pallas_src>

<mosaic_0001>
#map = affine_map<(d0, d1) -> (0, 0)>
#map1 = affine_map<(d0, d1) -> (0)>
module attributes {stable_mosaic.version = 14 : i64} {
  func.func @_tec_body(%arg0: i32, %arg1: i32, %arg2: memref<128x3072xf32, #tpu.memory_space<hbm>>, %arg3: memref<512xf32, #tpu.memory_space<hbm>>, %arg4: memref<32xi32, #tpu.memory_space<hbm>>, %arg5: memref<32xi32, #tpu.memory_space<hbm>>, %arg6: memref<128x28800xf32, #tpu.memory_space<hbm>>, %arg7: memref<3104xf32, #tpu.memory_space<vmem>>, %arg8: memref<512xf32, #tpu.memory_space<vmem>>, %arg9: memref<64xi32, #tpu.memory_space<vmem>>, %arg10: memref<912xi32, #tpu.memory_space<vmem>>, %arg11: memref<128xf32, #tpu.memory_space<vmem>>, %arg12: memref<64xi32, #tpu.memory_space<vmem>>, %arg13: memref<28816xf32, #tpu.memory_space<vmem>>) attributes {dimension_semantics = [#tpu.dimension_semantics<core_parallel>, #tpu.dimension_semantics<subcore_parallel>], iteration_bounds = array<i64: 2, 16>, scalar_prefetch = 0 : i64, scratch_operands = 7 : i64, tpu.core_type = #tpu.core_type<sc_vector_subcore>, window_params = [{transform_indices = #map}, {transform_indices = #map1}, {transform_indices = #map1}, {transform_indices = #map1}, {transform_indices = #map}]} {
    %mul3A = arith.constant 2 : i32
    %mul3A_0 = arith.muli %arg1, %mul3A : i32
    %add3A = arith.addi %mul3A_0, %arg0 : i32
    "tpu.region"() ({
      %run_scoped3A = tpu.sem_alloc : memref<!tpu.dma_semaphore, #tpu.memory_space<semaphore_mem>>
      tpu.enqueue_dma source(%arg3 : memref<512xf32, #tpu.memory_space<hbm>>) target(%arg8 : memref<512xf32, #tpu.memory_space<vmem>>) target_semaphore(%run_scoped3A : memref<!tpu.dma_semaphore, #tpu.memory_space<semaphore_mem>>)
      tpu.wait_dma2 semaphore(%run_scoped3A : memref<!tpu.dma_semaphore, #tpu.memory_space<semaphore_mem>>) src(%arg3 : memref<512xf32, #tpu.memory_space<hbm>>) dst(%arg8 : memref<512xf32, #tpu.memory_space<vmem>>)
      tpu.yield
    }) : () -> ()
    "tpu.region"() ({
      %run_scoped3A = tpu.sem_alloc : memref<!tpu.dma_semaphore, #tpu.memory_space<semaphore_mem>>
      %dma_start3A = arith.constant 0 : i32
      %dma_start3A_243 = tpu.memref_slice %arg9[%dma_start3A] : memref<64xi32, #tpu.memory_space<vmem>> -> memref<32xi32, #tpu.memory_space<vmem>>
      %dma_start3A_244 = arith.constant 0 : i32
      %dma_start3A_245 = tpu.memref_slice %arg9[%dma_start3A_244] : memref<64xi32, #tpu.memory_space<vmem>> -> memref<32xi32, #tpu.memory_space<vmem>>
      tpu.enqueue_dma source(%arg4 : memref<32xi32, #tpu.memory_space<hbm>>) target(%dma_start3A_245 : memref<32xi32, #tpu.memory_space<vmem>>) target_semaphore(%run_scoped3A : memref<!tpu.dma_semaphore, #tpu.memory_space<semaphore_mem>>)
      %dma_wait3A = arith.constant 0 : i32
      %dma_wait3A_246 = tpu.memref_slice %arg9[%dma_wait3A] : memref<64xi32, #tpu.memory_space<vmem>> -> memref<32xi32, #tpu.memory_space<vmem>>
      %dma_wait3A_247 = arith.constant 0 : i32
      %dma_wait3A_248 = tpu.memref_slice %arg9[%dma_wait3A_247] : memref<64xi32, #tpu.memory_space<vmem>> -> memref<32xi32, #tpu.memory_space<vmem>>
      tpu.wait_dma2 semaphore(%run_scoped3A : memref<!tpu.dma_semaphore, #tpu.memory_space<semaphore_mem>>) src(%arg4 : memref<32xi32, #tpu.memory_space<hbm>>) dst(%dma_wait3A_248 : memref<32xi32, #tpu.memory_space<vmem>>)
      tpu.yield
    }) : () -> ()
    "tpu.region"() ({
      %run_scoped3A = tpu.sem_alloc : memref<!tpu.dma_semaphore, #tpu.memory_space<semaphore_mem>>
      %dma_start3A = arith.constant 32 : i32
      %dma_start3A_243 = tpu.memref_slice %arg9[%dma_start3A] : memref<64xi32, #tpu.memory_space<vmem>> -> memref<32xi32, #tpu.memory_space<vmem>>
      %dma_start3A_244 = arith.constant 32 : i32
      %dma_start3A_245 = tpu.memref_slice %arg9[%dma_start3A_244] : memref<64xi32, #tpu.memory_space<vmem>> -> memref<32xi32, #tpu.memory_space<vmem>>
      tpu.enqueue_dma source(%arg5 : memref<32xi32, #tpu.memory_space<hbm>>) target(%dma_start3A_245 : memref<32xi32, #tpu.memory_space<vmem>>) target_semaphore(%run_scoped3A : memref<!tpu.dma_semaphore, #tpu.memory_space<semaphore_mem>>)
      %dma_wait3A = arith.constant 32 : i32
      %dma_wait3A_246 = tpu.memref_slice %arg9[%dma_wait3A] : memref<64xi32, #tpu.memory_space<vmem>> -> memref<32xi32, #tpu.memory_space<vmem>>
      %dma_wait3A_247 = arith.constant 32 : i32
      %dma_wait3A_248 = tpu.memref_slice %arg9[%dma_wait3A_247] : memref<64xi32, #tpu.memory_space<vmem>> -> memref<32xi32, #tpu.memory_space<vmem>>
      tpu.wait_dma2 semaphore(%run_scoped3A : memref<!tpu.dma_semaphore, #tpu.memory_space<semaphore_mem>>) src(%arg5 : memref<32xi32, #tpu.memory_space<hbm>>) dst(%dma_wait3A_248 : memref<32xi32, #tpu.memory_space<vmem>>)
      tpu.yield
    }) : () -> ()
    %iota3A = tpu.iota {dimensions = array<i32: 0>} : vector<16xi32>
    %scan3A = arith.constant 0 : i32
    %scan3A_1 = arith.constant 0 : i32
    %scan3A_2 = arith.constant 57 : i32
    %scan3A_3 = arith.addi %scan3A_1, %scan3A_2 : i32
    %scan3A_4 = arith.constant 1 : i32
    %scan3A_5 = scf.for %scan3A_243 = %scan3A_1 to %scan3A_3 step %scan3A_4 iter_args(%scan3A_244 = %scan3A) -> (i32)  : i32 {
      %mul3A_245 = arith.constant 16 : i32
      %mul3A_246 = arith.muli %scan3A_243, %mul3A_245 : i32
      %add3A_247 = vector.broadcast %mul3A_246 : i32 to vector<16xi32>
      %add3A_248 = arith.addi %iota3A, %add3A_247 : vector<16xi32>
      %broadcast_in_dim3A_249 = arith.constant 30 : i32
      %broadcast_in_dim3A_250 = vector.broadcast %broadcast_in_dim3A_249 : i32 to vector<16xi32>
      %div3A = arith.divsi %add3A_248, %broadcast_in_dim3A_250 : vector<16xi32>
      %mul3A_251 = arith.constant 32 : i32
      %mul3A_252 = vector.broadcast %mul3A_251 : i32 to vector<16xi32>
      %mul3A_253 = arith.muli %div3A, %mul3A_252 : vector<16xi32>
      %mul3A_254 = arith.constant 30 : i32
      %mul3A_255 = vector.broadcast %mul3A_254 : i32 to vector<16xi32>
      %mul3A_256 = arith.muli %div3A, %mul3A_255 : vector<16xi32>
      %sub3A_257 = arith.subi %add3A_248, %mul3A_256 : vector<16xi32>
      %add3A_258 = arith.addi %mul3A_253, %sub3A_257 : vector<16xi32>
      %mul3A_259 = arith.constant 16 : i32
      %mul3A_260 = arith.muli %scan3A_243, %mul3A_259 : i32
      %swap3A_261 = arith.index_cast %mul3A_260 : i32 to index
      %swap3A_262 = tpu.vector_load %arg10[%swap3A_261] {strides = array<i32>} : memref<912xi32, #tpu.memory_space<vmem>>, vector<16xi32>,
      tpu.vector_store %arg10[%swap3A_261], %add3A_258 {strides = array<i32>} : memref<912xi32, #tpu.memory_space<vmem>>, vector<16xi32>,
      %scan3A_263 = arith.constant 0 : i32
      scf.yield %scan3A_263 : i32
    }
    %scan3A_6 = arith.constant 57 : i32
    %scan3A_7 = arith.constant 0 : i32
    %scan3A_8 = arith.constant 0 : i32
    %scan3A_9 = arith.constant 4 : i32
    %scan3A_10 = arith.addi %scan3A_8, %scan3A_9 : i32
    %scan3A_11 = arith.constant 1 : i32
    %scan3A_12 = scf.for %scan3A_243 = %scan3A_8 to %scan3A_10 step %scan3A_11 iter_args(%scan3A_244 = %scan3A_7) -> (i32)  : i32 {
      %mul3A_245 = arith.constant 16 : i32
      %mul3A_246 = arith.muli %scan3A_243, %mul3A_245 : i32
      %get3A = arith.index_cast %mul3A_246 : i32 to index
      %get3A_247 = tpu.vector_load %arg9[%get3A] {strides = array<i32>} : memref<64xi32, #tpu.memory_space<vmem>>, vector<16xi32>,
      %broadcast_in_dim3A_248 = arith.constant 9 : i32
      %broadcast_in_dim3A_249 = vector.broadcast %broadcast_in_dim3A_248 : i32 to vector<16xi32>
      %div3A = arith.divsi %get3A_247, %broadcast_in_dim3A_249 : vector<16xi32>
      %mul3A_250 = arith.constant 9 : i32
      %mul3A_251 = vector.broadcast %mul3A_250 : i32 to vector<16xi32>
      %mul3A_252 = arith.muli %mul3A_251, %div3A : vector<16xi32>
      %sub3A_253 = arith.subi %get3A_247, %mul3A_252 : vector<16xi32>
      %broadcast_in_dim3A_254 = arith.constant 3 : i32
      %broadcast_in_dim3A_255 = vector.broadcast %broadcast_in_dim3A_254 : i32 to vector<16xi32>
      %div3A_256 = arith.divsi %sub3A_253, %broadcast_in_dim3A_255 : vector<16xi32>
      %mul3A_257 = arith.constant 1024 : i32
      %mul3A_258 = vector.broadcast %mul3A_257 : i32 to vector<16xi32>
      %mul3A_259 = arith.muli %div3A, %mul3A_258 : vector<16xi32>
      %mul3A_260 = arith.constant 32 : i32
      %mul3A_261 = vector.broadcast %mul3A_260 : i32 to vector<16xi32>
      %mul3A_262 = arith.muli %div3A_256, %mul3A_261 : vector<16xi32>
      %add3A_263 = arith.addi %mul3A_259, %mul3A_262 : vector<16xi32>
      %mul3A_264 = arith.constant 3 : i32
      %mul3A_265 = vector.broadcast %mul3A_264 : i32 to vector<16xi32>
      %mul3A_266 = arith.muli %mul3A_265, %div3A_256 : vector<16xi32>
      %sub3A_267 = arith.subi %sub3A_253, %mul3A_266 : vector<16xi32>
      %add3A_268 = arith.addi %add3A_263, %sub3A_267 : vector<16xi32>
      %mul3A_269 = arith.constant 16 : i32
      %mul3A_270 = arith.muli %scan3A_243, %mul3A_269 : i32
      %swap3A_271 = arith.index_cast %mul3A_270 : i32 to index
      %swap3A_272 = tpu.vector_load %arg12[%swap3A_271] {strides = array<i32>} : memref<64xi32, #tpu.memory_space<vmem>>, vector<16xi32>,
      tpu.vector_store %arg12[%swap3A_271], %add3A_268 {strides = array<i32>} : memref<64xi32, #tpu.memory_space<vmem>>, vector<16xi32>,
      %scan3A_273 = arith.constant 0 : i32
      scf.yield %scan3A_273 : i32
    }
    %scan3A_13 = arith.constant 4 : i32
    %mul3A_14 = arith.constant 16 : i32
    %mul3A_15 = vector.broadcast %mul3A_14 : i32 to vector<16xi32>
    %mul3A_16 = arith.muli %iota3A, %mul3A_15 : vector<16xi32>
    %add3A_17 = arith.constant 0 : i32
    %add3A_18 = vector.broadcast %add3A_17 : i32 to vector<16xi32>
    %add3A_19 = arith.addi %mul3A_16, %add3A_18 : vector<16xi32>
    %broadcast_in_dim3A = arith.constant 0.000000e+00 : f32
    %broadcast_in_dim3A_20 = vector.broadcast %broadcast_in_dim3A : f32 to vector<16xf32>
    %add3A_21 = arith.constant 1 : i32
    %add3A_22 = vector.broadcast %add3A_21 : i32 to vector<16xi32>
    %add3A_23 = arith.addi %add3A_19, %add3A_22 : vector<16xi32>
    %gather3A = tpu.vector_load_idx %arg8[%add3A_23] : memref<512xf32, #tpu.memory_space<vmem>>[vector<16xi32>], vector<16xf32>,
    %add3A_24 = arith.addf %broadcast_in_dim3A_20, %gather3A : vector<16xf32>
    %add3A_25 = arith.constant 2 : i32
    %add3A_26 = vector.broadcast %add3A_25 : i32 to vector<16xi32>
    %add3A_27 = arith.addi %add3A_19, %add3A_26 : vector<16xi32>
    %gather3A_28 = tpu.vector_load_idx %arg8[%add3A_27] : memref<512xf32, #tpu.memory_space<vmem>>[vector<16xi32>], vector<16xf32>,
    %add3A_29 = arith.addf %broadcast_in_dim3A_20, %gather3A_28 : vector<16xf32>
    %add3A_30 = arith.constant 3 : i32
    %add3A_31 = vector.broadcast %add3A_30 : i32 to vector<16xi32>
    %add3A_32 = arith.addi %add3A_19, %add3A_31 : vector<16xi32>
    %gather3A_33 = tpu.vector_load_idx %arg8[%add3A_32] : memref<512xf32, #tpu.memory_space<vmem>>[vector<16xi32>], vector<16xf32>,
    %add3A_34 = arith.addf %add3A_29, %gather3A_33 : vector<16xf32>
    %add3A_35 = arith.addf %add3A_24, %gather3A_33 : vector<16xf32>
    %add3A_36 = arith.constant 4 : i32
    %add3A_37 = vector.broadcast %add3A_36 : i32 to vector<16xi32>
    %add3A_38 = arith.addi %add3A_19, %add3A_37 : vector<16xi32>
    %gather3A_39 = tpu.vector_load_idx %arg8[%add3A_38] : memref<512xf32, #tpu.memory_space<vmem>>[vector<16xi32>], vector<16xf32>,
    %add3A_40 = arith.addf %broadcast_in_dim3A_20, %gather3A_39 : vector<16xf32>
    %add3A_41 = arith.constant 5 : i32
    %add3A_42 = vector.broadcast %add3A_41 : i32 to vector<16xi32>
    %add3A_43 = arith.addi %add3A_19, %add3A_42 : vector<16xi32>
    %gather3A_44 = tpu.vector_load_idx %arg8[%add3A_43] : memref<512xf32, #tpu.memory_space<vmem>>[vector<16xi32>], vector<16xf32>,
    %add3A_45 = arith.addf %add3A_40, %gather3A_44 : vector<16xf32>
    %add3A_46 = arith.addf %add3A_35, %gather3A_44 : vector<16xf32>
    %add3A_47 = arith.constant 6 : i32
    %add3A_48 = vector.broadcast %add3A_47 : i32 to vector<16xi32>
    %add3A_49 = arith.addi %add3A_19, %add3A_48 : vector<16xi32>
    %gather3A_50 = tpu.vector_load_idx %arg8[%add3A_49] : memref<512xf32, #tpu.memory_space<vmem>>[vector<16xi32>], vector<16xf32>,
    %add3A_51 = arith.addf %add3A_45, %gather3A_50 : vector<16xf32>
    %add3A_52 = arith.addf %add3A_34, %gather3A_50 : vector<16xf32>
    %add3A_53 = arith.constant 7 : i32
    %add3A_54 = vector.broadcast %add3A_53 : i32 to vector<16xi32>
    %add3A_55 = arith.addi %add3A_19, %add3A_54 : vector<16xi32>
    %gather3A_56 = tpu.vector_load_idx %arg8[%add3A_55] : memref<512xf32, #tpu.memory_space<vmem>>[vector<16xi32>], vector<16xf32>,
    %add3A_57 = arith.addf %add3A_51, %gather3A_56 : vector<16xf32>
    %add3A_58 = arith.addf %add3A_52, %gather3A_56 : vector<16xf32>
    %add3A_59 = arith.addf %add3A_46, %gather3A_56 : vector<16xf32>
    %add3A_60 = arith.constant 8 : i32
    %add3A_61 = vector.broadcast %add3A_60 : i32 to vector<16xi32>
    %add3A_62 = arith.addi %add3A_19, %add3A_61 : vector<16xi32>
    %gather3A_63 = tpu.vector_load_idx %arg8[%add3A_62] : memref<512xf32, #tpu.memory_space<vmem>>[vector<16xi32>], vector<16xf32>,
    %add3A_64 = arith.addf %broadcast_in_dim3A_20, %gather3A_63 : vector<16xf32>
    %add3A_65 = arith.constant 9 : i32
    %add3A_66 = vector.broadcast %add3A_65 : i32 to vector<16xi32>
    %add3A_67 = arith.addi %add3A_19, %add3A_66 : vector<16xi32>
    %gather3A_68 = tpu.vector_load_idx %arg8[%add3A_67] : memref<512xf32, #tpu.memory_space<vmem>>[vector<16xi32>], vector<16xf32>,
    %add3A_69 = arith.addf %add3A_64, %gather3A_68 : vector<16xf32>
    %add3A_70 = arith.addf %add3A_59, %gather3A_68 : vector<16xf32>
    %add3A_71 = arith.constant 10 : i32
    %add3A_72 = vector.broadcast %add3A_71 : i32 to vector<16xi32>
    %add3A_73 = arith.addi %add3A_19, %add3A_72 : vector<16xi32>
    %gather3A_74 = tpu.vector_load_idx %arg8[%add3A_73] : memref<512xf32, #tpu.memory_space<vmem>>[vector<16xi32>], vector<16xf32>,
    %add3A_75 = arith.addf %add3A_69, %gather3A_74 : vector<16xf32>
    %add3A_76 = arith.addf %add3A_58, %gather3A_74 : vector<16xf32>
    %add3A_77 = arith.constant 11 : i32
    %add3A_78 = vector.broadcast %add3A_77 : i32 to vector<16xi32>
    %add3A_79 = arith.addi %add3A_19, %add3A_78 : vector<16xi32>
    %gather3A_80 = tpu.vector_load_idx %arg8[%add3A_79] : memref<512xf32, #tpu.memory_space<vmem>>[vector<16xi32>], vector<16xf32>,
    %add3A_81 = arith.addf %add3A_75, %gather3A_80 : vector<16xf32>
    %add3A_82 = arith.addf %add3A_76, %gather3A_80 : vector<16xf32>
    %add3A_83 = arith.addf %add3A_70, %gather3A_80 : vector<16xf32>
    %add3A_84 = arith.constant 12 : i32
    %add3A_85 = vector.broadcast %add3A_84 : i32 to vector<16xi32>
    %add3A_86 = arith.addi %add3A_19, %add3A_85 : vector<16xi32>
    %gather3A_87 = tpu.vector_load_idx %arg8[%add3A_86] : memref<512xf32, #tpu.memory_space<vmem>>[vector<16xi32>], vector<16xf32>,
    %add3A_88 = arith.addf %add3A_81, %gather3A_87 : vector<16xf32>
    %add3A_89 = arith.addf %add3A_57, %gather3A_87 : vector<16xf32>
    %add3A_90 = arith.constant 13 : i32
    %add3A_91 = vector.broadcast %add3A_90 : i32 to vector<16xi32>
    %add3A_92 = arith.addi %add3A_19, %add3A_91 : vector<16xi32>
    %gather3A_93 = tpu.vector_load_idx %arg8[%add3A_92] : memref<512xf32, #tpu.memory_space<vmem>>[vector<16xi32>], vector<16xf32>,
    %add3A_94 = arith.addf %add3A_88, %gather3A_93 : vector<16xf32>
    %add3A_95 = arith.addf %add3A_89, %gather3A_93 : vector<16xf32>
    %add3A_96 = arith.addf %add3A_83, %gather3A_93 : vector<16xf32>
    %add3A_97 = arith.constant 14 : i32
    %add3A_98 = vector.broadcast %add3A_97 : i32 to vector<16xi32>
    %add3A_99 = arith.addi %add3A_19, %add3A_98 : vector<16xi32>
    %gather3A_100 = tpu.vector_load_idx %arg8[%add3A_99] : memref<512xf32, #tpu.memory_space<vmem>>[vector<16xi32>], vector<16xf32>,
    %add3A_101 = arith.addf %add3A_94, %gather3A_100 : vector<16xf32>
    %add3A_102 = arith.addf %add3A_95, %gather3A_100 : vector<16xf32>
    %add3A_103 = arith.addf %add3A_82, %gather3A_100 : vector<16xf32>
    %add3A_104 = arith.constant 15 : i32
    %add3A_105 = vector.broadcast %add3A_104 : i32 to vector<16xi32>
    %add3A_106 = arith.addi %add3A_19, %add3A_105 : vector<16xi32>
    %gather3A_107 = tpu.vector_load_idx %arg8[%add3A_106] : memref<512xf32, #tpu.memory_space<vmem>>[vector<16xi32>], vector<16xf32>,
    %add3A_108 = arith.addf %add3A_101, %gather3A_107 : vector<16xf32>
    %add3A_109 = arith.addf %add3A_102, %gather3A_107 : vector<16xf32>
    %add3A_110 = arith.addf %add3A_103, %gather3A_107 : vector<16xf32>
    %add3A_111 = arith.addf %add3A_96, %gather3A_107 : vector<16xf32>
    %swap3A = arith.constant 0 : index
    %swap3A_112 = tpu.vector_load %arg11[%swap3A] {strides = array<i32>} : memref<128xf32, #tpu.memory_space<vmem>>, vector<16xf32>,
    tpu.vector_store %arg11[%swap3A], %add3A_108 {strides = array<i32>} : memref<128xf32, #tpu.memory_space<vmem>>, vector<16xf32>,
    %sub3A = arith.subf %add3A_110, %add3A_108 : vector<16xf32>
    %swap3A_113 = arith.constant 32 : index
    %swap3A_114 = tpu.vector_load %arg11[%swap3A_113] {strides = array<i32>} : memref<128xf32, #tpu.memory_space<vmem>>, vector<16xf32>,
    tpu.vector_store %arg11[%swap3A_113], %sub3A {strides = array<i32>} : memref<128xf32, #tpu.memory_space<vmem>>, vector<16xf32>,
    %sub3A_115 = arith.subf %add3A_109, %add3A_108 : vector<16xf32>
    %swap3A_116 = arith.constant 64 : index
    %swap3A_117 = tpu.vector_load %arg11[%swap3A_116] {strides = array<i32>} : memref<128xf32, #tpu.memory_space<vmem>>, vector<16xf32>,
    tpu.vector_store %arg11[%swap3A_116], %sub3A_115 {strides = array<i32>} : memref<128xf32, #tpu.memory_space<vmem>>, vector<16xf32>,
    %sub3A_118 = arith.subf %add3A_111, %add3A_110 : vector<16xf32>
    %sub3A_119 = arith.subf %sub3A_118, %add3A_109 : vector<16xf32>
    %add3A_120 = arith.addf %sub3A_119, %add3A_108 : vector<16xf32>
    %swap3A_121 = arith.constant 96 : index
    %swap3A_122 = tpu.vector_load %arg11[%swap3A_121] {strides = array<i32>} : memref<128xf32, #tpu.memory_space<vmem>>, vector<16xf32>,
    tpu.vector_store %arg11[%swap3A_121], %add3A_120 {strides = array<i32>} : memref<128xf32, #tpu.memory_space<vmem>>, vector<16xf32>,
    %mul3A_123 = arith.constant 16 : i32
    %mul3A_124 = vector.broadcast %mul3A_123 : i32 to vector<16xi32>
    %mul3A_125 = arith.muli %iota3A, %mul3A_124 : vector<16xi32>
    %add3A_126 = arith.constant 256 : i32
    %add3A_127 = vector.broadcast %add3A_126 : i32 to vector<16xi32>
    %add3A_128 = arith.addi %mul3A_125, %add3A_127 : vector<16xi32>
    %broadcast_in_dim3A_129 = arith.constant 0.000000e+00 : f32
    %broadcast_in_dim3A_130 = vector.broadcast %broadcast_in_dim3A_129 : f32 to vector<16xf32>
    %add3A_131 = arith.constant 1 : i32
    %add3A_132 = vector.broadcast %add3A_131 : i32 to vector<16xi32>
    %add3A_133 = arith.addi %add3A_128, %add3A_132 : vector<16xi32>
    %gather3A_134 = tpu.vector_load_idx %arg8[%add3A_133] : memref<512xf32, #tpu.memory_space<vmem>>[vector<16xi32>], vector<16xf32>,
    %add3A_135 = arith.addf %broadcast_in_dim3A_130, %gather3A_134 : vector<16xf32>
    %add3A_136 = arith.constant 2 : i32
    %add3A_137 = vector.broadcast %add3A_136 : i32 to vector<16xi32>
    %add3A_138 = arith.addi %add3A_128, %add3A_137 : vector<16xi32>
    %gather3A_139 = tpu.vector_load_idx %arg8[%add3A_138] : memref<512xf32, #tpu.memory_space<vmem>>[vector<16xi32>], vector<16xf32>,
    %add3A_140 = arith.addf %broadcast_in_dim3A_130, %gather3A_139 : vector<16xf32>
    %add3A_141 = arith.constant 3 : i32
    %add3A_142 = vector.broadcast %add3A_141 : i32 to vector<16xi32>
    %add3A_143 = arith.addi %add3A_128, %add3A_142 : vector<16xi32>
    %gather3A_144 = tpu.vector_load_idx %arg8[%add3A_143] : memref<512xf32, #tpu.memory_space<vmem>>[vector<16xi32>], vector<16xf32>,
    %add3A_145 = arith.addf %add3A_140, %gather3A_144 : vector<16xf32>
    %add3A_146 = arith.addf %add3A_135, %gather3A_144 : vector<16xf32>
    %add3A_147 = arith.constant 4 : i32
    %add3A_148 = vector.broadcast %add3A_147 : i32 to vector<16xi32>
    %add3A_149 = arith.addi %add3A_128, %add3A_148 : vector<16xi32>
    %gather3A_150 = tpu.vector_load_idx %arg8[%add3A_149] : memref<512xf32, #tpu.memory_space<vmem>>[vector<16xi32>], vector<16xf32>,
    %add3A_151 = arith.addf %broadcast_in_dim3A_130, %gather3A_150 : vector<16xf32>
    %add3A_152 = arith.constant 5 : i32
    %add3A_153 = vector.broadcast %add3A_152 : i32 to vector<16xi32>
    %add3A_154 = arith.addi %add3A_128, %add3A_153 : vector<16xi32>
    %gather3A_155 = tpu.vector_load_idx %arg8[%add3A_154] : memref<512xf32, #tpu.memory_space<vmem>>[vector<16xi32>], vector<16xf32>,
    %add3A_156 = arith.addf %add3A_151, %gather3A_155 : vector<16xf32>
    %add3A_157 = arith.addf %add3A_146, %gather3A_155 : vector<16xf32>
    %add3A_158 = arith.constant 6 : i32
    %add3A_159 = vector.broadcast %add3A_158 : i32 to vector<16xi32>
    %add3A_160 = arith.addi %add3A_128, %add3A_159 : vector<16xi32>
    %gather3A_161 = tpu.vector_load_idx %arg8[%add3A_160] : memref<512xf32, #tpu.memory_space<vmem>>[vector<16xi32>], vector<16xf32>,
    %add3A_162 = arith.addf %add3A_156, %gather3A_161 : vector<16xf32>
    %add3A_163 = arith.addf %add3A_145, %gather3A_161 : vector<16xf32>
    %add3A_164 = arith.constant 7 : i32
    %add3A_165 = vector.broadcast %add3A_164 : i32 to vector<16xi32>
    %add3A_166 = arith.addi %add3A_128, %add3A_165 : vector<16xi32>
    %gather3A_167 = tpu.vector_load_idx %arg8[%add3A_166] : memref<512xf32, #tpu.memory_space<vmem>>[vector<16xi32>], vector<16xf32>,
    %add3A_168 = arith.addf %add3A_162, %gather3A_167 : vector<16xf32>
    %add3A_169 = arith.addf %add3A_163, %gather3A_167 : vector<16xf32>
    %add3A_170 = arith.addf %add3A_157, %gather3A_167 : vector<16xf32>
    %add3A_171 = arith.constant 8 : i32
    %add3A_172 = vector.broadcast %add3A_171 : i32 to vector<16xi32>
    %add3A_173 = arith.addi %add3A_128, %add3A_172 : vector<16xi32>
    %gather3A_174 = tpu.vector_load_idx %arg8[%add3A_173] : memref<512xf32, #tpu.memory_space<vmem>>[vector<16xi32>], vector<16xf32>,
    %add3A_175 = arith.addf %broadcast_in_dim3A_130, %gather3A_174 : vector<16xf32>
    %add3A_176 = arith.constant 9 : i32
    %add3A_177 = vector.broadcast %add3A_176 : i32 to vector<16xi32>
    %add3A_178 = arith.addi %add3A_128, %add3A_177 : vector<16xi32>
    %gather3A_179 = tpu.vector_load_idx %arg8[%add3A_178] : memref<512xf32, #tpu.memory_space<vmem>>[vector<16xi32>], vector<16xf32>,
    %add3A_180 = arith.addf %add3A_175, %gather3A_179 : vector<16xf32>
    %add3A_181 = arith.addf %add3A_170, %gather3A_179 : vector<16xf32>
    %add3A_182 = arith.constant 10 : i32
    %add3A_183 = vector.broadcast %add3A_182 : i32 to vector<16xi32>
    %add3A_184 = arith.addi %add3A_128, %add3A_183 : vector<16xi32>
    %gather3A_185 = tpu.vector_load_idx %arg8[%add3A_184] : memref<512xf32, #tpu.memory_space<vmem>>[vector<16xi32>], vector<16xf32>,
    %add3A_186 = arith.addf %add3A_180, %gather3A_185 : vector<16xf32>
    %add3A_187 = arith.addf %add3A_169, %gather3A_185 : vector<16xf32>
    %add3A_188 = arith.constant 11 : i32
    %add3A_189 = vector.broadcast %add3A_188 : i32 to vector<16xi32>
    %add3A_190 = arith.addi %add3A_128, %add3A_189 : vector<16xi32>
    %gather3A_191 = tpu.vector_load_idx %arg8[%add3A_190] : memref<512xf32, #tpu.memory_space<vmem>>[vector<16xi32>], vector<16xf32>,
    %add3A_192 = arith.addf %add3A_186, %gather3A_191 : vector<16xf32>
    %add3A_193 = arith.addf %add3A_187, %gather3A_191 : vector<16xf32>
    %add3A_194 = arith.addf %add3A_181, %gather3A_191 : vector<16xf32>
    %add3A_195 = arith.constant 12 : i32
    %add3A_196 = vector.broadcast %add3A_195 : i32 to vector<16xi32>
    %add3A_197 = arith.addi %add3A_128, %add3A_196 : vector<16xi32>
    %gather3A_198 = tpu.vector_load_idx %arg8[%add3A_197] : memref<512xf32, #tpu.memory_space<vmem>>[vector<16xi32>], vector<16xf32>,
    %add3A_199 = arith.addf %add3A_192, %gather3A_198 : vector<16xf32>
    %add3A_200 = arith.addf %add3A_168, %gather3A_198 : vector<16xf32>
    %add3A_201 = arith.constant 13 : i32
    %add3A_202 = vector.broadcast %add3A_201 : i32 to vector<16xi32>
    %add3A_203 = arith.addi %add3A_128, %add3A_202 : vector<16xi32>
    %gather3A_204 = tpu.vector_load_idx %arg8[%add3A_203] : memref<512xf32, #tpu.memory_space<vmem>>[vector<16xi32>], vector<16xf32>,
    %add3A_205 = arith.addf %add3A_199, %gather3A_204 : vector<16xf32>
    %add3A_206 = arith.addf %add3A_200, %gather3A_204 : vector<16xf32>
    %add3A_207 = arith.addf %add3A_194, %gather3A_204 : vector<16xf32>
    %add3A_208 = arith.constant 14 : i32
    %add3A_209 = vector.broadcast %add3A_208 : i32 to vector<16xi32>
    %add3A_210 = arith.addi %add3A_128, %add3A_209 : vector<16xi32>
    %gather3A_211 = tpu.vector_load_idx %arg8[%add3A_210] : memref<512xf32, #tpu.memory_space<vmem>>[vector<16xi32>], vector<16xf32>,
    %add3A_212 = arith.addf %add3A_205, %gather3A_211 : vector<16xf32>
    %add3A_213 = arith.addf %add3A_206, %gather3A_211 : vector<16xf32>
    %add3A_214 = arith.addf %add3A_193, %gather3A_211 : vector<16xf32>
    %add3A_215 = arith.constant 15 : i32
    %add3A_216 = vector.broadcast %add3A_215 : i32 to vector<16xi32>
    %add3A_217 = arith.addi %add3A_128, %add3A_216 : vector<16xi32>
    %gather3A_218 = tpu.vector_load_idx %arg8[%add3A_217] : memref<512xf32, #tpu.memory_space<vmem>>[vector<16xi32>], vector<16xf32>,
    %add3A_219 = arith.addf %add3A_212, %gather3A_218 : vector<16xf32>
    %add3A_220 = arith.addf %add3A_213, %gather3A_218 : vector<16xf32>
    %add3A_221 = arith.addf %add3A_214, %gather3A_218 : vector<16xf32>
    %add3A_222 = arith.addf %add3A_207, %gather3A_218 : vector<16xf32>
    %swap3A_223 = arith.constant 16 : index
    %swap3A_224 = tpu.vector_load %arg11[%swap3A_223] {strides = array<i32>} : memref<128xf32, #tpu.memory_space<vmem>>, vector<16xf32>,
    tpu.vector_store %arg11[%swap3A_223], %add3A_219 {strides = array<i32>} : memref<128xf32, #tpu.memory_space<vmem>>, vector<16xf32>,
    %sub3A_225 = arith.subf %add3A_221, %add3A_219 : vector<16xf32>
    %swap3A_226 = arith.constant 48 : index
    %swap3A_227 = tpu.vector_load %arg11[%swap3A_226] {strides = array<i32>} : memref<128xf32, #tpu.memory_space<vmem>>, vector<16xf32>,
    tpu.vector_store %arg11[%swap3A_226], %sub3A_225 {strides = array<i32>} : memref<128xf32, #tpu.memory_space<vmem>>, vector<16xf32>,
    %sub3A_228 = arith.subf %add3A_220, %add3A_219 : vector<16xf32>
    %swap3A_229 = arith.constant 80 : index
    %swap3A_230 = tpu.vector_load %arg11[%swap3A_229] {strides = array<i32>} : memref<128xf32, #tpu.memory_space<vmem>>, vector<16xf32>,
    tpu.vector_store %arg11[%swap3A_229], %sub3A_228 {strides = array<i32>} : memref<128xf32, #tpu.memory_space<vmem>>, vector<16xf32>,
    %sub3A_231 = arith.subf %add3A_222, %add3A_221 : vector<16xf32>
    %sub3A_232 = arith.subf %sub3A_231, %add3A_220 : vector<16xf32>
    %add3A_233 = arith.addf %sub3A_232, %add3A_219 : vector<16xf32>
    %swap3A_234 = arith.constant 112 : index
    %swap3A_235 = tpu.vector_load %arg11[%swap3A_234] {strides = array<i32>} : memref<128xf32, #tpu.memory_space<vmem>>, vector<16xf32>,
    tpu.vector_store %arg11[%swap3A_234], %add3A_233 {strides = array<i32>} : memref<128xf32, #tpu.memory_space<vmem>>, vector<16xf32>,
    %scan3A_236 = arith.constant 0 : i32
    %scan3A_237 = arith.constant 0 : i32
    %scan3A_238 = arith.constant 4 : i32
    %scan3A_239 = arith.addi %scan3A_237, %scan3A_238 : i32
    %scan3A_240 = arith.constant 1 : i32
    %scan3A_241 = scf.for %scan3A_243 = %scan3A_237 to %scan3A_239 step %scan3A_240 iter_args(%scan3A_244 = %scan3A_236) -> (i32)  : i32 {
      %mul3A_245 = arith.constant 4 : i32
      %mul3A_246 = arith.muli %add3A, %mul3A_245 : i32
      %add3A_247 = arith.addi %mul3A_246, %scan3A_243 : i32
      "tpu.region"() ({
        %run_scoped3A = tpu.sem_alloc : memref<!tpu.dma_semaphore, #tpu.memory_space<semaphore_mem>>
        %dma_start3A = arith.constant 0 : i32
        %dma_start3A_256 = tpu.memref_slice %arg7[%dma_start3A] : memref<3104xf32, #tpu.memory_space<vmem>> -> memref<3072xf32, #tpu.memory_space<vmem>>
        %dma_start3A_257 = arith.constant 0 : i32
        %dma_start3A_258 = tpu.memref_slice %arg2[%add3A_247, %dma_start3A_257] : memref<128x3072xf32, #tpu.memory_space<hbm>> -> memref<1x3072xf32, #tpu.memory_space<hbm>>
        %dma_start3A_259 = tpu.memref_squeeze %dma_start3A_258 : memref<1x3072xf32, #tpu.memory_space<hbm>> -> memref<3072xf32, #tpu.memory_space<hbm>>
        %dma_start3A_260 = arith.constant 0 : i32
        %dma_start3A_261 = tpu.memref_slice %arg7[%dma_start3A_260] : memref<3104xf32, #tpu.memory_space<vmem>> -> memref<3072xf32, #tpu.memory_space<vmem>>
        %dma_start3A_262 = arith.constant 0 : i32
        %dma_start3A_263 = tpu.memref_slice %arg2[%add3A_247, %dma_start3A_262] : memref<128x3072xf32, #tpu.memory_space<hbm>> -> memref<1x3072xf32, #tpu.memory_space<hbm>>
        %dma_start3A_264 = tpu.memref_squeeze %dma_start3A_263 : memref<1x3072xf32, #tpu.memory_space<hbm>> -> memref<3072xf32, #tpu.memory_space<hbm>>
        tpu.enqueue_dma source(%dma_start3A_264 : memref<3072xf32, #tpu.memory_space<hbm>>) target(%dma_start3A_261 : memref<3072xf32, #tpu.memory_space<vmem>>) target_semaphore(%run_scoped3A : memref<!tpu.dma_semaphore, #tpu.memory_space<semaphore_mem>>)
        %dma_wait3A = arith.constant 0 : i32
        %dma_wait3A_265 = tpu.memref_slice %arg7[%dma_wait3A] : memref<3104xf32, #tpu.memory_space<vmem>> -> memref<3072xf32, #tpu.memory_space<vmem>>
        %dma_wait3A_266 = arith.constant 0 : i32
        %dma_wait3A_267 = tpu.memref_slice %arg2[%add3A_247, %dma_wait3A_266] : memref<128x3072xf32, #tpu.memory_space<hbm>> -> memref<1x3072xf32, #tpu.memory_space<hbm>>
        %dma_wait3A_268 = tpu.memref_squeeze %dma_wait3A_267 : memref<1x3072xf32, #tpu.memory_space<hbm>> -> memref<3072xf32, #tpu.memory_space<hbm>>
        %dma_wait3A_269 = arith.constant 0 : i32
        %dma_wait3A_270 = tpu.memref_slice %arg7[%dma_wait3A_269] : memref<3104xf32, #tpu.memory_space<vmem>> -> memref<3072xf32, #tpu.memory_space<vmem>>
        %dma_wait3A_271 = arith.constant 0 : i32
        %dma_wait3A_272 = tpu.memref_slice %arg2[%add3A_247, %dma_wait3A_271] : memref<128x3072xf32, #tpu.memory_space<hbm>> -> memref<1x3072xf32, #tpu.memory_space<hbm>>
        %dma_wait3A_273 = tpu.memref_squeeze %dma_wait3A_272 : memref<1x3072xf32, #tpu.memory_space<hbm>> -> memref<3072xf32, #tpu.memory_space<hbm>>
        tpu.wait_dma2 semaphore(%run_scoped3A : memref<!tpu.dma_semaphore, #tpu.memory_space<semaphore_mem>>) src(%dma_wait3A_273 : memref<3072xf32, #tpu.memory_space<hbm>>) dst(%dma_wait3A_270 : memref<3072xf32, #tpu.memory_space<vmem>>)
        tpu.yield
      }) : () -> ()
      %scan3A_248 = arith.constant 0 : i32
      %scan3A_249 = arith.constant 0 : i32
      %scan3A_250 = arith.constant 32 : i32
      %scan3A_251 = arith.addi %scan3A_249, %scan3A_250 : i32
      %scan3A_252 = arith.constant 1 : i32
      %scan3A_253 = scf.for %scan3A_256 = %scan3A_249 to %scan3A_251 step %scan3A_252 iter_args(%scan3A_257 = %scan3A_248) -> (i32)  : i32 {
        %broadcast_in_dim3A_258 = vector.broadcast %scan3A_256 : i32 to vector<16xi32>
        %gather3A_259 = tpu.vector_load_idx %arg11[%broadcast_in_dim3A_258] : memref<128xf32, #tpu.memory_space<vmem>>[vector<16xi32>], vector<16xf32>,
        %add3A_260 = arith.constant 32 : i32
        %add3A_261 = vector.broadcast %add3A_260 : i32 to vector<16xi32>
        %add3A_262 = arith.addi %broadcast_in_dim3A_258, %add3A_261 : vector<16xi32>
        %gather3A_263 = tpu.vector_load_idx %arg11[%add3A_262] : memref<128xf32, #tpu.memory_space<vmem>>[vector<16xi32>], vector<16xf32>,
        %add3A_264 = arith.constant 64 : i32
        %add3A_265 = vector.broadcast %add3A_264 : i32 to vector<16xi32>
        %add3A_266 = arith.addi %broadcast_in_dim3A_258, %add3A_265 : vector<16xi32>
        %gather3A_267 = tpu.vector_load_idx %arg11[%add3A_266] : memref<128xf32, #tpu.memory_space<vmem>>[vector<16xi32>], vector<16xf32>,
        %add3A_268 = arith.constant 96 : i32
        %add3A_269 = vector.broadcast %add3A_268 : i32 to vector<16xi32>
        %add3A_270 = arith.addi %broadcast_in_dim3A_258, %add3A_269 : vector<16xi32>
        %gather3A_271 = tpu.vector_load_idx %arg11[%add3A_270] : memref<128xf32, #tpu.memory_space<vmem>>[vector<16xi32>], vector<16xf32>,
        %gather3A_272 = tpu.vector_load_idx %arg12[%broadcast_in_dim3A_258] : memref<64xi32, #tpu.memory_space<vmem>>[vector<16xi32>], vector<16xi32>,
        %add3A_273 = arith.constant 32 : i32
        %add3A_274 = vector.broadcast %add3A_273 : i32 to vector<16xi32>
        %add3A_275 = arith.addi %broadcast_in_dim3A_258, %add3A_274 : vector<16xi32>
        %gather3A_276 = tpu.vector_load_idx %arg12[%add3A_275] : memref<64xi32, #tpu.memory_space<vmem>>[vector<16xi32>], vector<16xi32>,
        %mul3A_277 = arith.constant 900 : i32
        %mul3A_278 = arith.muli %scan3A_256, %mul3A_277 : i32
        %scan3A_279 = arith.constant 0 : i32
        %scan3A_280 = arith.constant 0 : i32
        %scan3A_281 = arith.constant 57 : i32
        %scan3A_282 = arith.addi %scan3A_280, %scan3A_281 : i32
        %scan3A_283 = arith.constant 1 : i32
        %scan3A_284 = scf.for %scan3A_287 = %scan3A_280 to %scan3A_282 step %scan3A_283 iter_args(%scan3A_288 = %scan3A_279) -> (i32)  : i32 {
          %mul3A_289 = arith.constant 16 : i32
          %mul3A_290 = arith.muli %scan3A_287, %mul3A_289 : i32
          %get3A = arith.index_cast %mul3A_290 : i32 to index
          %get3A_291 = tpu.vector_load %arg10[%get3A] {strides = array<i32>} : memref<912xi32, #tpu.memory_space<vmem>>, vector<16xi32>,
          %add3A_292 = arith.addi %get3A_291, %gather3A_272 : vector<16xi32>
          %gather3A_293 = tpu.vector_load_idx %arg7[%add3A_292] : memref<3104xf32, #tpu.memory_space<vmem>>[vector<16xi32>], vector<16xf32>,
          %add3A_294 = arith.addi %get3A_291, %gather3A_276 : vector<16xi32>
          %gather3A_295 = tpu.vector_load_idx %arg7[%add3A_294] : memref<3104xf32, #tpu.memory_space<vmem>>[vector<16xi32>], vector<16xf32>,
          %mul3A_296 = arith.mulf %gather3A_263, %gather3A_293 : vector<16xf32>
          %add3A_297 = arith.addf %gather3A_259, %mul3A_296 : vector<16xf32>
          %mul3A_298 = arith.mulf %gather3A_267, %gather3A_295 : vector<16xf32>
          %add3A_299 = arith.addf %add3A_297, %mul3A_298 : vector<16xf32>
          %mul3A_300 = arith.mulf %gather3A_293, %gather3A_295 : vector<16xf32>
          %mul3A_301 = arith.mulf %gather3A_271, %mul3A_300 : vector<16xf32>
          %add3A_302 = arith.addf %add3A_299, %mul3A_301 : vector<16xf32>
          %mul3A_303 = arith.constant 16 : i32
          %mul3A_304 = arith.muli %scan3A_287, %mul3A_303 : i32
          %add3A_305 = arith.addi %mul3A_278, %mul3A_304 : i32
          %swap3A_306 = arith.index_cast %add3A_305 : i32 to index
          %swap3A_307 = tpu.vector_load %arg13[%swap3A_306] {strides = array<i32>} : memref<28816xf32, #tpu.memory_space<vmem>>, vector<16xf32>,
          tpu.vector_store %arg13[%swap3A_306], %add3A_302 {strides = array<i32>} : memref<28816xf32, #tpu.memory_space<vmem>>, vector<16xf32>,
          %scan3A_308 = arith.constant 0 : i32
          scf.yield %scan3A_308 : i32
        }
        %scan3A_285 = arith.constant 57 : i32
        %scan3A_286 = arith.constant 0 : i32
        scf.yield %scan3A_286 : i32
      }
      %scan3A_254 = arith.constant 32 : i32
      "tpu.region"() ({
        %run_scoped3A = tpu.sem_alloc : memref<!tpu.dma_semaphore, #tpu.memory_space<semaphore_mem>>
        %dma_start3A = arith.constant 0 : i32
        %dma_start3A_256 = tpu.memref_slice %arg13[%dma_start3A] : memref<28816xf32, #tpu.memory_space<vmem>> -> memref<28800xf32, #tpu.memory_space<vmem>>
        %dma_start3A_257 = arith.constant 0 : i32
        %dma_start3A_258 = tpu.memref_slice %arg6[%add3A_247, %dma_start3A_257] : memref<128x28800xf32, #tpu.memory_space<hbm>> -> memref<1x28800xf32, #tpu.memory_space<hbm>>
        %dma_start3A_259 = tpu.memref_squeeze %dma_start3A_258 : memref<1x28800xf32, #tpu.memory_space<hbm>> -> memref<28800xf32, #tpu.memory_space<hbm>>
        %dma_start3A_260 = arith.constant 0 : i32
        %dma_start3A_261 = tpu.memref_slice %arg6[%add3A_247, %dma_start3A_260] : memref<128x28800xf32, #tpu.memory_space<hbm>> -> memref<1x28800xf32, #tpu.memory_space<hbm>>
        %dma_start3A_262 = tpu.memref_squeeze %dma_start3A_261 : memref<1x28800xf32, #tpu.memory_space<hbm>> -> memref<28800xf32, #tpu.memory_space<hbm>>
        %dma_start3A_263 = arith.constant 0 : i32
        %dma_start3A_264 = tpu.memref_slice %arg13[%dma_start3A_263] : memref<28816xf32, #tpu.memory_space<vmem>> -> memref<28800xf32, #tpu.memory_space<vmem>>
        tpu.enqueue_dma source(%dma_start3A_264 : memref<28800xf32, #tpu.memory_space<vmem>>) target(%dma_start3A_262 : memref<28800xf32, #tpu.memory_space<hbm>>) target_semaphore(%run_scoped3A : memref<!tpu.dma_semaphore, #tpu.memory_space<semaphore_mem>>)
        %dma_wait3A = arith.constant 0 : i32
        %dma_wait3A_265 = tpu.memref_slice %arg13[%dma_wait3A] : memref<28816xf32, #tpu.memory_space<vmem>> -> memref<28800xf32, #tpu.memory_space<vmem>>
        %dma_wait3A_266 = arith.constant 0 : i32
        %dma_wait3A_267 = tpu.memref_slice %arg6[%add3A_247, %dma_wait3A_266] : memref<128x28800xf32, #tpu.memory_space<hbm>> -> memref<1x28800xf32, #tpu.memory_space<hbm>>
        %dma_wait3A_268 = tpu.memref_squeeze %dma_wait3A_267 : memref<1x28800xf32, #tpu.memory_space<hbm>> -> memref<28800xf32, #tpu.memory_space<hbm>>
        %dma_wait3A_269 = arith.constant 0 : i32
        %dma_wait3A_270 = tpu.memref_slice %arg6[%add3A_247, %dma_wait3A_269] : memref<128x28800xf32, #tpu.memory_space<hbm>> -> memref<1x28800xf32, #tpu.memory_space<hbm>>
        %dma_wait3A_271 = tpu.memref_squeeze %dma_wait3A_270 : memref<1x28800xf32, #tpu.memory_space<hbm>> -> memref<28800xf32, #tpu.memory_space<hbm>>
        %dma_wait3A_272 = arith.constant 0 : i32
        %dma_wait3A_273 = tpu.memref_slice %arg13[%dma_wait3A_272] : memref<28816xf32, #tpu.memory_space<vmem>> -> memref<28800xf32, #tpu.memory_space<vmem>>
        tpu.wait_dma2 semaphore(%run_scoped3A : memref<!tpu.dma_semaphore, #tpu.memory_space<semaphore_mem>>) src(%dma_wait3A_273 : memref<28800xf32, #tpu.memory_space<vmem>>) dst(%dma_wait3A_271 : memref<28800xf32, #tpu.memory_space<hbm>>)
        tpu.yield
      }) : () -> ()
      %scan3A_255 = arith.constant 0 : i32
      scf.yield %scan3A_255 : i32
    }
    %scan3A_242 = arith.constant 4 : i32
    return
  }
}

</mosaic_0001>

<sc_bundles>
// kernel: kernel.3.cloned.1.call-start
scs
__scs_entry_jumppad:
0x0: {  	(pc) =	sbr.rel $0x88, $3  }
0x1: {  	(tag) =	ssettag $0x0;
	lr =	simm.s32 $0x1  }
0x2: {  	[smem:$0x3F9D] =	sst lr;
	_ =	strace $0xD0000000  }
0x3: {  	_ = 	snop  }
0x4: {  	_ = 	snop  }
0x5: {  	_ = 	snop  }
0x6: {  	_ = 	snop  }
0x7: {  	_ = 	snop  }
__scs_overlays_trampoline_lowered:
0x8: {  	[smem:$0x3FAC] =	sst s0  }
0x9: {  	[smem:$0x3FAD] =	sst s1  }
0xa: {  	[smem:$0x3FAE] =	sst s2  }
0xb: {  	[smem:$0x3FAF] =	sst s3  }
0xc: {  	[smem:$0x3FB0] =	sst s4  }
0xd: {  	[smem:$0x3FB1] =	sst s5  }
0xe: {  	[smem:$0x3FB2] =	sst s6  }
0xf: {  	[smem:$0x3FB3] =	sst s7  }
0x10: {  	[smem:$0x3FB4] =	sst s8  }
0x11: {  	[smem:$0x3FB5] =	sst s9;
	s0 =	simm.s32 @!p0 $0x0  }
0x12: {  	s1 =	sld [smem:$0x3F9B];
	s0 =	simm.s32 @p0 $0x1  }
0x13: {  	[smem:$0x3FB6] =	sst s0;
	s0 =	simm.s32 @!p1 $0x0  }
0x14: {  	s2 =	sld [smem:$0x3F9A];
	s0 =	simm.s32 @p1 $0x1  }
0x15: {  	[smem:$0x3FB7] =	sst s0;
	s0 =	simm.s32 @!p2 $0x0  }
0x16: {  	s3 =	sld [smem:$0x3FDB];
	s0 =	simm.s32 @p2 $0x1  }
0x17: {  	s4 =	simm.s32 $0x1BF5;
	[smem:$0x3FB9] =	sst s0  }
0x18: {  	s0 =	sld [smem:$0x3F9C];
	_ =	swait.ge [sflag:s4], $0x0  }
0x19: {  	s7 =	sld [smem:$0x3F9D]  }
0x1a: {  	s8 =	sadd.s32 $0xFFFFE003, lr  }
0x1b: {  	s9 =	sadd.s32 $0xFFFFFEF7, lr;
	s5 =	simm.s32 $0xFFFFFFFF;
	p2 =	slt.u32 s8, $0xFFFFF086  }
0x1c: {  	p1 =	slt.u32 s9, $0xF7A;
	s5 =	simm.s32 @!p2 $0x0  }
0x1d: {  	s5 =	simm.s32 @p1 $0x1;
	p0 =	seq.s32 s7, s2  }
0x1e: {  	s7 =	smul.u32 @!p0 $0xF7A, s2;
	p2 =	seq.s32 @!p0 s5, $0x0  }
0x1f: {  	s9 =	smul.u32 $0xF7A, s1;
	s8 =	simm.s32 @!p0 $0x1BF5;
	p2 =	por !p2, p0  }
0x20: {  	[sflag:s8] =	ssyncset.s32 @!p0 $0xFFFFF086;
	s6 =	sadd.s32 @!p0 s3, s7;
	s7 =	simm.s32 @!p0 $0x108  }
0x21: {  	s3 =	sadd.s32 s3, s9;
	s6 =	sadd.s32 @!p0 $0x88, s6;
	s7 =	simm.s32 @p2 $0x1082  }
0x22: {  	[simem:s7], [sflag:s8] =	dma.local @!p0 [hbm:s6], $0xF7A  }
0x23: {  	s9 =	sor.u32 $0xD0000000, s2;
	s6 =	simm.s32 $0x108;
	_ =	swait.ge @!p0 [sflag:s8], $0x0  }
0x24: {  	s3 =	sadd.s32 $0x88, s3;
	s6 =	simm.s32 @!p1 $0x1082;
	[sflag:s4] =	ssyncset.s32 $0xFFFFF086  }
0x25: {  	[simem:s6], [sflag:s4] =	dma.local [hbm:s3], $0xF7A  }
0x26: {  	[smem:$0x3F9D] =	sst s1;
	(tag) =	ssettag s2;
	_ =	strace s9  }
0x27: {  	s1 =	sld [smem:$0x3FAD]  }
0x28: {  	s2 =	sld [smem:$0x3FAE]  }
0x29: {  	s4 =	sld [smem:$0x3FB0]  }
0x2a: {  	p0 =	seq.s32 s5, $0x0;
	s5 =	sld [smem:$0x3FB1]  }
0x2b: {  	s6 =	sld [smem:$0x3FB2]  }
0x2c: {  	s7 =	sld [smem:$0x3FB3]  }
0x2d: {  	s3 =	simm.s32 $0x108;
	s8 =	sld [smem:$0x3FB4]  }
0x2e: {  	s3 =	simm.s32 @!p0 $0x1082;
	s9 =	sld [smem:$0x3FB5]  }
0x2f: {  	lr =	sadd.s32 s0, s3;
	s0 =	sld [smem:$0x3FAC]  }
0x30: {  	s3 =	sld [smem:$0x3FAF]  }
0x31: {  	[smem:$0x3FB8] =	sst s10  }
0x32: {  	s10 =	sld [smem:$0x3FB6];
	_ =	sdelay $0x3  }
0x33: {  	p0 =	seq.s32 s10, $0x1;
	s10 =	sld [smem:$0x3FB8];
	_ =	sdelay $0x3  }
0x34: {  	[smem:$0x3FB8] =	sst s10  }
0x35: {  	s10 =	sld [smem:$0x3FB7];
	_ =	sdelay $0x3  }
0x36: {  	p1 =	seq.s32 s10, $0x1;
	s10 =	sld [smem:$0x3FB8];
	_ =	sdelay $0x3  }
0x37: {  	[smem:$0x3FB8] =	sst s10  }
0x38: {  	s10 =	sld [smem:$0x3FB9]  }
0x39: {  	_ = 	snop;
	(pc) =	sbr.ind lr, $3  }
0x3a: {  	_ = 	snop  }
0x3b: {  	_ = 	snop  }
0x3c: {  	p2 =	seq.s32 s10, $0x1;
	s10 =	sld [smem:$0x3FB8]  }
0x3d: {  	_ =	shalt  }
0x3e: {  	_ =	shalt  }
0x3f: {  	_ =	shalt  }
0x40: {  	_ =	shalt  }
0x41: {  	_ =	shalt  }
0x42: {  	_ =	shalt  }
0x43: {  	_ =	shalt  }
0x44: {  	_ =	shalt  }
0x45: {  	_ =	shalt  }
0x46: {  	_ =	shalt  }
0x47: {  	_ =	shalt  }
0x48: {  	_ =	shalt  }
0x49: {  	_ =	shalt  }
0x4a: {  	_ =	shalt  }
0x4b: {  	_ =	shalt  }
0x4c: {  	_ =	shalt  }
0x4d: {  	_ =	shalt  }
0x4e: {  	_ =	shalt  }
0x4f: {  	_ =	shalt  }
0x50: {  	_ =	shalt  }
0x51: {  	_ =	shalt  }
0x52: {  	_ =	shalt  }
0x53: {  	_ =	shalt  }
0x54: {  	_ =	shalt  }
0x55: {  	_ =	shalt  }
0x56: {  	_ =	shalt  }
0x57: {  	_ =	shalt  }
0x58: {  	_ =	shalt  }
0x59: {  	_ =	shalt  }
0x5a: {  	_ =	shalt  }
0x5b: {  	_ =	shalt  }
0x5c: {  	_ =	shalt  }
0x5d: {  	_ =	shalt  }
0x5e: {  	_ =	shalt  }
0x5f: {  	_ =	shalt  }
0x60: {  	_ =	shalt  }
0x61: {  	_ =	shalt  }
0x62: {  	_ =	shalt  }
0x63: {  	_ =	shalt  }
0x64: {  	_ =	shalt  }
0x65: {  	_ =	shalt  }
0x66: {  	_ =	shalt  }
0x67: {  	_ =	shalt  }
0x68: {  	_ =	shalt  }
0x69: {  	_ =	shalt  }
0x6a: {  	_ =	shalt  }
0x6b: {  	_ =	shalt  }
0x6c: {  	_ =	shalt  }
0x6d: {  	_ =	shalt  }
0x6e: {  	_ =	shalt  }
0x6f: {  	_ =	shalt  }
0x70: {  	_ =	shalt  }
0x71: {  	_ =	shalt  }
0x72: {  	_ =	shalt  }
0x73: {  	_ =	shalt  }
0x74: {  	_ =	shalt  }
0x75: {  	_ =	shalt  }
0x76: {  	_ =	shalt  }
0x77: {  	_ =	shalt  }
0x78: {  	_ =	shalt  }
0x79: {  	_ =	shalt  }
0x7a: {  	_ =	shalt  }
0x7b: {  	_ =	shalt  }
0x7c: {  	_ =	shalt  }
0x7d: {  	_ =	shalt  }
0x7e: {  	_ =	shalt  }
0x7f: {  	_ =	shalt  }
0x80: {  	_ =	shalt  }
0x81: {  	_ =	shalt  }
0x82: {  	_ =	shalt  }
0x83: {  	_ =	shalt  }
0x84: {  	_ =	shalt  }
0x85: {  	_ =	shalt  }
0x86: {  	_ =	shalt  }
0x87: {  	_ =	shalt  }
.Lfunc_end0:
.L_simem_size_0:
called_computation_lowered:
.L_overlay_start_0:
0x88: {  	s2 =	sld [smem:$0x3FD9]  }
0x89: {  	s3 =	sld [smem:$0x3FFE];
	_ =	sdelay $0x1  }
0x8a: {  	s1 =	srdreg.scid  }
0x8b: {  	s0 =	sand.u32 $0x1, s1  }
0x8c: {  	s17 =	sshll.u32 s0, $0xA;
	s2 =	sadd.s32 s3, s2  }
0x8d: {  	s2 =	sadd.s32 s2, s17  }
0x8e: {  	[smem:$0x3FC4] =	sst s2  }
0x8f: {  	_ = 	snop  }
0x90: {  	s2 =	sld [smem:$0x3FC7]  }
0x91: {  	s18 =	sld [smem:$0x3FC6]  }
0x92: {  	s4 =	sld [smem:$0x3FD0];
	(tm) =	ssettm $0x1  }
0x93: {  	s5 =	sld [smem:$0x3FFB];
	_ =	sdelay $0x3  }
0x94: {  	_ =	strace s5  }
0x95: {  	s5 =	sld [smem:$0x3FFC];
	_ =	sdelay $0x3  }
0x96: {  	_ =	strace s5  }
0x97: {  	s5 =	sld [smem:$0x3FFD];
	_ =	sdelay $0x3  }
0x98: {  	_ =	strace s5  }
0x99: {  	_ =	strace $0x8FFFFFFF  }
0x9a: {  	s19 =	sld [smem:$0x3FDB];
	_ =	sdelay $0x1  }
0x9b: {  	s6 =	simm.s32 $_scs_section_size  }
0x9c: {  	s7 =	simm.s32 $_size__tile_overlayer_lowered;
	s8 =	simm.s32 $_tile_overlayer_lowered  }
0x9d: {  	s22 =	simm.s32 $0x1BFF;
	s21 =	sshll.u32 s8, $0x1;
	s5 =	sadd.s32 s6, s19  }
0x9e: {  	s9 =	simm.s32 $0x0;
	s20 =	sshll.u32 s7, $0x1;
	s7 =	sadd.s32 s21, s5  }
0x9f: {  	[timem:s9], [sflag:s22] =	dma.local [hbm:s7], s20  }
0xa0: {  	_ =	swait.ge [sflag:s22], s20  }
0xa1: {  	s6 =	ssub.s32 $0x0, s20;
	[sflag:s22] =	ssyncset.done $0x0  }
0xa2: {  	[sflag:s22] =	ssyncadd.s32 s6;
	_ =	sdelay $0x1  }
0xa3: {  	s23 =	simm.s32 $0x1B8B  }
0xa4: {  	_ =	swait.ge [sflag:s23], $0x1  }
0xa5: {  	[sflag:s23] =	ssyncset.done $0x0  }
0xa6: {  	s25 =	simm.s32 $0x1B8E;
	s24 =	sld [smem:$0x3FFE];
	[sflag:s23] =	ssyncadd.s32 $0xFFFFFFFF  }
0xa7: {  	s26 =	simm.s32 $execute0_lowered;
	[smem:$0x3FD2] =	sst s25  }
0xa8: {  	s7 =	sshll.u32 s26, $0x1;
	_ =	strace $0x80000046;
	[dreg:$0x1] =	wrdreg $0xFFFFFFFF  }
0xa9: {  	s28 =	simm.s32 $_size_execute0_lowered;
	s5 =	sadd.s32 s5, s7;
	[dreg:$0x0] =	wrdreg $0x0  }
0xaa: {  	s7 =	sshll.u32 s28, $0x1;
	[dreg:$0x2] =	wrdreg s5  }
0xab: {  	[dreg:$0x3] =	wrdreg s7  }
0xac: {  	[dreg:$0x4] =	wrdreg $0xC0  }
0xad: {  	_ =	task [dreg:s9], $0x5FFFF  }
0xae: {  	[dreg:$0x1] =	wrdreg $0xFFFFFFFF  }
0xaf: {  	[dreg:$0x0] =	wrdreg $0x60  }
0xb0: {  	[dreg:$0x2] =	wrdreg s24  }
0xb1: {  	[dreg:$0x3] =	wrdreg s2  }
0xb2: {  	[dreg:$0x4] =	wrdreg s18  }
0xb3: {  	[dreg:$0x5] =	wrdreg s4  }
0xb4: {  	[dreg:$0x6] =	wrdreg $0x9  }
0xb5: {  	_ =	task.clear_ibuf [dreg:s9], $0x7FFFF;
	_ =	strace $0x90000046  }
0xb6: {  	s29 =	simm.s32 $0x9;
	_ =	strace $0x80000048  }
0xb7: {  	_ =	swait.ge [sflag:s29], $0x1  }
0xb8: {  	[sflag:s29] =	ssyncadd.s32 $0xFFFFFFFF  }
0xb9: {  	_ =	strace $0x90000048  }
0xba: {  	_ =	sfence  }
0xbb: {  	s30 =	sld [smem:$0x0];
	_ =	sdelay $0x2  }
0xbc: {  	s31 =	sshll.u32 s1, $0xD;
	s1 =	sshrl.u32 s1, $0x2  }
0xbd: {  	s3 =	sand.u32 $0x4000, s31;
	s1 =	sadd.s32 s1, s30  }
0xbe: {  	s0 =	sor.u32 s3, s0;
	s1 =	sshll.u32 s1, $0x11  }
0xbf: {  	s0 =	sor.u32 s1, s0  }
0xc0: {  	s0 =	sadd.s32 $0x8F2B, s0  }
0xc1: {  	[sflag:s0] =	ssyncadd.remote.s32 $0x1  }
0xc2: {  	_ =	sfence.sel $0xFFFF  }
0xc3: {  	[dreg:$0x0] =	wrdreg $0xFFFFFFFF;
	(pc) =	sbr.abs _section_cstart, $3  }
0xc4: {  	[dreg:$0x1] =	wrdreg $0xFFFFFFFF  }
0xc5: {  	_ =	task.clear_ibuf [dreg:s9], $0x2FFFF;
	_ =	strace $0x9FFFFFFF  }
0xc6: {  	(tm) =	ssettm $0x7FFFFFFF  }
0xc7: {  	_ =	shalt  }
tec
execute0_lowered:
.L_overlay_start_1:
0x0: {  	(tag) =	ssettag $0x1  }
0x1: {  	v1 =	vimm.s32 $0xECA86420;
	v0 =	vlaneseq.u32;
	vm0 =	vcmask $0xB08  }
0x2: {  	vm1 =	vcmask $0x1310;
	vm2 =	vcmask $0x1B18;
	vm3 =	vcmask $0x300  }
0x3: {  	vm4 =	vcmask $0x2320;
	vm5 =	vcmask $0x2B28;
	v1 =	vunpack.c.l.s4.s8 v1  }
0x4: {  	vm6 =	vcmask $0x3330;
	vm7 =	vcmask $0x3B38;
	v32 =	vmul.u32 $0x10, v0  }
0x5: {  	vm8 =	vmmov $0xff;
	v2 =	vmul.u32 $0x2, v0;
	v1 =	vunpack.c.0.s8.s32 v1  }
0x6: {  	v3 =	vor.u32 $0x1, v32;
	v4 =	vor.u32 $0x2, v32;
	v5 =	vor.u32 $0x3, v32  }
0x7: {  	s0 =	rddreg [dreg:$0x0];
	s4 =	simm.s32 $0x0;
	s1 =	srdreg.scid;
	v6 =	vor.u32 $0x4, v32;
	v7 =	vor.u32 $0x5, v32;
	v8 =	vor.u32 $0x6, v32  }
0x8: {  	s3 =	stileid.u32;
	[smem:$0x7FF] =	sst s4;
	v9 =	vor.u32 $0x7, v32;
	v10 =	vor.u32 $0x8, v32;
	v11 =	vor.u32 $0x9, v32  }
0x9: {  	s1 =	sand.u32 $0x1, s1;
	s9 =	sadd.s32 $0x600, s0;
	s0 =	sadd.s32 $0x400, s0;
	v12 =	vor.u32 $0xA, v32;
	v13 =	vor.u32 $0xB, v32;
	v14 =	vor.u32 $0xC, v32  }
0xa: {  	s11 =	smul.u32 $0x6000, s3;
	_ =	strace $0x80000047;
	[dreg:$0x1b] =	wrdreg s0;
	v15 =	vor.u32 $0xD, v32;
	v16 =	vor.u32 $0xE, v32;
	v17 =	vor.u32 $0xF, v32  }
0xb: {  	s2 =	ssub.s32 $0x2, s1;
	s10 =	sshll.u32 s1, $0x9;
	[dreg:$0x1a] =	wrdreg s9;
	v18 =	vor.u32 $0x101, v32;
	v19 =	vor.u32 $0x102, v32;
	v20 =	vor.u32 $0x103, v32  }
0xc: {  	s12 =	smul.u32 $0x38400, s3;
	s31 =	sshrl.u32 s2, $0x1;
	v21 =	vor.u32 $0x104, v32;
	v22 =	vor.u32 $0x105, v32;
	v23 =	vor.u32 $0x106, v32;
	[dreg:$0x1c] =	wrdreg s10  }
0xd: {  	v24 =	vor.u32 $0x107, v32;
	v25 =	vor.u32 $0x108, v32;
	v26 =	vor.u32 $0x109, v32;
	[dreg:$0x1d] =	wrdreg s11;
	s0 =	ssub.s32 s2, s31  }
0xe: {  	s13 =	simm.s32 $0xC80;
	v27 =	vor.u32 $0x10A, v32;
	v28 =	vor.u32 $0x10B, v32;
	v29 =	vor.u32 $0x10C, v32;
	[dreg:$0x1e] =	wrdreg s12;
	s0 =	smax.u32 s0, $0x1  }
0xf: {  	s14 =	simm.s32 $0x1;
	s1 =	simm.s32 $0x0;
	v30 =	vor.u32 $0x10D, v32;
	v31 =	vor.u32 $0x10E, v32;
	v32 =	vor.u32 $0x10F, v32;
	[dreg:$0x1f] =	wrdreg s0  }
.LBB2_1:
0x10: {  	[smem:$0x7FD] =	sst s1  }
0x11: {  	s0 =	rddreg [dreg:$0x1b]  }
0x12: {  	[tilespmem:s13], [sflag:$0x1] =	stream.linear.gather [hbm4b:s0+s4], $0x200, $0x38;
	[tilespmem:$0x8500] =	vst v63  }
0x13: {  	_ =	swait.ge [sflag:s14], $0x200  }
0x14: {  	[sflag:s14] =	ssyncset.done $0x0  }
0x15: {  	[sflag:s14] =	ssyncadd.s32 $0xFFFFFE00  }
0x16: {  	s29 =	simm.s32 $0xE80;
	s28 =	rddreg [dreg:$0x1]  }
0x17: {  	[tilespmem:s29], [sflag:$0x1] =	stream.linear.gather [hbm4b:s28+s4], $0x20, $0x38;
	[tilespmem:$0x8500] =	vst v63  }
0x18: {  	v34 =	vor.u32 s4, v0;
	_ =	swait.ge [sflag:s14], $0x20  }
0x19: {  	v33 =	vmulhi.u32 $0x88888889, v34;
	[sflag:s14] =	ssyncset.done $0x0  }
0x1a: {  	[sflag:s14] =	ssyncadd.s32 $0xFFFFFFE0  }
0x1b: {  	s30 =	simm.s32 $0x10;
	s2 =	simm.s32 $0xEA0;
	v35 =	vshrl.u32 v33, $0x4;
	s31 =	rddreg [dreg:$0x2]  }
0x1c: {  	v33 =	vor.u32 s30, v0;
	v36 =	vmul.u32 $0xFFFFFFE2, v35;
	[tilespmem:s2], [sflag:$0x1] =	stream.linear.gather [hbm4b:s31+s4], $0x20, $0x38;
	[tilespmem:$0x8500] =	vst v63  }
0x1d: {  	v37 =	vmulhi.u32 $0x88888889, v33;
	_ =	swait.ge [sflag:s14], $0x20  }
0x1e: {  	v35 =	vshll.u32 v35, $0x5;
	v34 =	vadd.s32 v34, v36;
	[sflag:s14] =	ssyncset.done $0x0  }
0x1f: {  	s0 =	simm.s32 $0xF00;
	v35 =	vadd.s32 v35, v34;
	v34 =	vshrl.u32 v37, $0x4;
	[sflag:s14] =	ssyncadd.s32 $0xFFFFFFE0  }
0x20: {  	s1 =	simm.s32 $0x20;
	[tilespmem:s0+$0x0] =	vst v35;
	v35 =	vmul.u32 $0xFFFFFFE2, v34  }
.LBB2_2:
0x21: {  	p0 =	sne.s32 s1, $0x380  }
.Ltmp0:
0x22: {  	v34 =	vshll.u32 v34, $0x5;
	v35 =	vadd.s32 v33, v35;
	v33 =	vor.u32 s1, v0;
	s1 =	sadd.s32 $0x10, s1;
	(pc) =	sbr.rel @p0 .LBB2_2-.Ltmp0, $4  }
0x23: {  	s0 =	sadd.s32 $0x10, s0;
	v36 =	vmulhi.u32 $0x88888889, v33;
	v34 =	vadd.s32 v34, v35  }
0x24: {  	[tilespmem:s0+$0x0] =	vst v34  }
0x25: {  	v34 =	vshrl.u32 v36, $0x4  }
0x26: {  	v35 =	vmul.u32 $0xFFFFFFE2, v34  }
0x27: {  	_ = 	snop  }
0x28: {  	v34 =	vshll.u32 v34, $0x5;
	v33 =	vadd.s32 v33, v35  }
0x29: {  	s0 =	sadd.s32 $0x10, s0;
	v33 =	vadd.s32 v34, v33  }
0x2a: {  	s30 =	simm.s32 $0x0;
	[tilespmem:s0+$0x0] =	vst v33  }
0x2b: {  	v33 =	vld [tilespmem:s30+$0xE80];
	_ =	sdelay $0x4  }
0x2c: {  	(v2sf) =	vpush v33, $0x7  }
0x2d: {  	(v2sf) =	vpush v33, $0x6;
	_ =	sdelay $0x1  }
0x2e: {  	(v2sf) =	vpush v33, $0xF;
	_ =	sdelay $0x1  }
0x2f: {  	(v2sf) =	vpush v33, $0xB;
	_ =	sdelay $0x2  }
0x30: {  	(v2sf) =	vpush v33, $0x5  }
0x31: {  	(v2sf) =	vpush v33, $0xE  }
0x32: {  	(v2sf) =	vpush v33, $0xA  }
0x33: {  	(v2sf) =	vpush v33, $0x4  }
0x34: {  	(v2sf) =	vpush v33, $0xD  }
0x35: {  	(v2sf) =	vpush v33, $0x9;
	_ =	sdelay $0x1  }
0x36: {  	(v2sf) =	vpush v33, $0x3;
	s1 =	spop (v2sf)  }
0x37: {  	(v2sf) =	vpush v33, $0xC;
	s6 =	spop (v2sf);
	s25 =	smulhi.u32 $0x38E38E39, s1  }
0x38: {  	(v2sf) =	vpush v33, $0x8;
	s1 =	sshra.s32 s1, $0x1F;
	s26 =	smulhi.u32 $0x38E38E39, s6  }
0x39: {  	s2 =	spop (v2sf);
	s1 =	smul.u32 $0x38E38E39, s1  }
0x3a: {  	s6 =	sshra.s32 s6, $0x1F;
	s12 =	smulhi.u32 $0x38E38E39, s2  }
0x3b: {  	s3 =	spop (v2sf);
	s6 =	smul.u32 $0x38E38E39, s6  }
0x3c: {  	(v2sf) =	vpush v33, $0x2;
	s2 =	sshra.s32 s2, $0x1F;
	s13 =	smulhi.u32 $0x38E38E39, s3  }
0x3d: {  	(v2sf) =	vpush v33, $0x1;
	s2 =	smul.u32 $0x38E38E39, s2;
	s3 =	sshra.s32 s3, $0x1F  }
0x3e: {  	s0 =	spop (v2sf);
	s3 =	smul.u32 $0x38E38E39, s3  }
0x3f: {  	(v2sf) =	vpush v33, $0x0;
	s8 =	spop (v2sf);
	s28 =	smulhi.u32 $0x38E38E39, s0  }
0x40: {  	s0 =	sshra.s32 s0, $0x1F;
	s9 =	spop (v2sf);
	s14 =	smulhi.u32 $0x38E38E39, s8  }
0x41: {  	s8 =	sshra.s32 s8, $0x1F;
	s0 =	smul.u32 $0x38E38E39, s0;
	s7 =	spop (v2sf)  }
0x42: {  	s8 =	smul.u32 $0x38E38E39, s8;
	s10 =	spop (v2sf)  }
0x43: {  	s11 =	spop (v2sf);
	s16 =	smulhi.u32 $0x38E38E39, s10  }
0x44: {  	s10 =	sshra.s32 s10, $0x1F;
	s18 =	smulhi.u32 $0x38E38E39, s11  }
0x45: {  	s5 =	spop (v2sf);
	s10 =	smul.u32 $0x38E38E39, s10;
	s11 =	sshra.s32 s11, $0x1F  }
0x46: {  	s15 =	spop (v2sf);
	s11 =	smul.u32 $0x38E38E39, s11  }
0x47: {  	s17 =	spop (v2sf);
	s21 =	smulhi.u32 $0x38E38E39, s15  }
0x48: {  	s15 =	sshra.s32 s15, $0x1F;
	s23 =	smulhi.u32 $0x38E38E39, s17  }
0x49: {  	s15 =	smul.u32 $0x38E38E39, s15  }
0x4a: {  	s17 =	sshra.s32 s17, $0x1F;
	s11 =	sadd.s32 s11, s18;
	s18 =	smulhi.u32 $0x38E38E39, s5  }
0x4b: {  	s19 =	spop (v2sf);
	s17 =	smul.u32 $0x38E38E39, s17  }
0x4c: {  	s20 =	spop (v2sf);
	s15 =	sadd.s32 s15, s21;
	s21 =	smulhi.u32 $0x38E38E39, s9  }
0x4d: {  	s2 =	sadd.s32 s2, s12;
	s29 =	smulhi.u32 $0x38E38E39, s20  }
0x4e: {  	s22 =	spop (v2sf);
	s31 =	sshra.s32 s20, $0x1F;
	s20 =	smulhi.u32 $0x38E38E39, s19  }
0x4f: {  	s3 =	sadd.s32 s3, s13;
	s8 =	sadd.s32 s8, s14;
	s24 =	smulhi.u32 $0x38E38E39, s22  }
0x50: {  	s9 =	sshra.s32 s9, $0x1F;
	s17 =	sadd.s32 s17, s23;
	s23 =	smulhi.u32 $0x38E38E39, s7  }
0x51: {  	s10 =	sadd.s32 s10, s16;
	s22 =	sshra.s32 s22, $0x1F;
	s9 =	smul.u32 $0x38E38E39, s9  }
0x52: {  	s14 =	smul.u32 $0x38E38E39, s31;
	v60 =	vmov s15;
	s15 =	sshrl.u32 s15, $0x1F;
	s7 =	sshra.s32 s7, $0x1F  }
0x53: {  	s22 =	smul.u32 $0x38E38E39, s22;
	v61 =	vmov s17;
	s17 =	sshrl.u32 s17, $0x1F;
	v34 =	vsel vm0, s10, v60;
	s10 =	sshrl.u32 s10, $0x1F  }
0x54: {  	v36 =	vmov s15;
	s7 =	smul.u32 $0x38E38E39, s7;
	s9 =	sadd.s32 s9, s21;
	s21 =	sshra.s32 s19, $0x1F;
	v37 =	vmov s17  }
0x55: {  	v35 =	vsel vm0, s11, v61;
	s11 =	sshrl.u32 s11, $0x1F;
	v36 =	vsel vm0, s10, v36;
	v41 =	vsel vm1, s8, v34;
	s8 =	sshrl.u32 s8, $0x1F;
	s22 =	sadd.s32 s22, s24  }
0x56: {  	s5 =	sshra.s32 s5, $0x1F;
	s16 =	smul.u32 $0x38E38E39, s21;
	v40 =	vsel vm0, s11, v37;
	v36 =	vsel vm1, s8, v36;
	v38 =	vmov s22;
	s22 =	sshrl.u32 s22, $0x1F  }
0x57: {  	s12 =	sadd.s32 s14, s29;
	s24 =	smul.u32 $0x38E38E39, s5;
	v37 =	vsel vm1, s9, v35;
	s29 =	sshrl.u32 s9, $0x1F;
	v39 =	vmov s22;
	v38 =	vnsel vm3, $0x0, v38  }
0x58: {  	s5 =	sadd.s32 s7, s23;
	s31 =	sshrl.u32 s12, $0x1F;
	v35 =	vsel vm2, s2, v41;
	s14 =	sadd.s32 s16, s20;
	v62 =	vnsel vm3, $0x0, v39;
	v63 =	vsel vm0, s12, v38  }
0x59: {  	s8 =	simm.s32 $0x40;
	v34 =	vsel vm1, s29, v40;
	s7 =	sadd.s32 s24, s18;
	s9 =	sshrl.u32 s14, $0x1F;
	v38 =	vsel vm0, s31, v62;
	v39 =	vsel vm1, s14, v63  }
.LBB2_4:
0x5a: {  	s21 =	sshra.s32 s8, $0x2  }
0x5b: {  	v40 =	vld [tilespmem:s21+$0xE80]  }
0x5c: {  	s2 =	sshrl.u32 s2, $0x1F;
	v38 =	vsel vm1, s9, v38;
	s18 =	sshrl.u32 s7, $0x1F;
	v37 =	vsel vm2, s3, v37  }
0x5d: {  	v39 =	vsel vm2, s7, v39;
	s19 =	sshrl.u32 s3, $0x1F;
	v36 =	vsel vm2, s2, v36;
	v38 =	vsel vm2, s18, v38  }
0x5e: {  	s20 =	sshrl.u32 s5, $0x1F;
	s0 =	sadd.s32 s0, s28;
	v39 =	vsel vm4, s5, v39;
	v34 =	vsel vm2, s19, v34;
	v35 =	vcombine.low v37, v35  }
0x5f: {  	s23 =	sadd.s32 s6, s26;
	v38 =	vsel vm4, s20, v38;
	s22 =	sshrl.u32 s0, $0x1F;
	v39 =	vsel vm5, s0, v39;
	v34 =	vcombine.low v34, v36  }
0x60: {  	s1 =	sadd.s32 s1, s25;
	s24 =	sshrl.u32 s23, $0x1F;
	v38 =	vsel vm5, s22, v38;
	v45 =	vsel vm6, s23, v39;
	(v2sf) =	vpush v40, $0x7  }
0x61: {  	s25 =	sshrl.u32 s1, $0x1F;
	v35 =	vperm.xlane v35, v1;
	v46 =	vsel vm6, s24, v38;
	v37 =	vsel vm7, s1, v45  }
0x62: {  	v36 =	vsel vm7, s25, v46;
	v37 =	vperm.xlane v37, v2;
	(v2sf) =	vpush v40, $0x6  }
0x63: {  	v34 =	vperm.xlane v34, v1;
	v36 =	vperm.xlane v36, v2;
	(v2sf) =	vpush v40, $0xF  }
0x64: {  	v35 =	vsel vm8, v37, v35  }
0x65: {  	v34 =	vsel vm8, v36, v34;
	v35 =	vshra.s32 v35, $0x1;
	(v2sf) =	vpush v40, $0xB  }
0x66: {  	v34 =	vadd.s32 v34, v35;
	(v2sf) =	vpush v40, $0x5  }
0x67: {  	v35 =	vmul.u32 $0xFFFFFFF7, v34;
	_ =	sdelay $0x1  }
0x68: {  	v35 =	vadd.s32 v33, v35  }
0x69: {  	(v2sf) =	vpush v35, $0x7  }
0x6a: {  	(v2sf) =	vpush v35, $0x6;
	_ =	sdelay $0x1  }
0x6b: {  	[dreg:$0x11] =	wrdreg s30;
	(v2sf) =	vpush v35, $0xF  }
0x6c: {  	[dreg:$0x5] =	wrdreg s8  }
0x6d: {  	[dreg:$0x8] =	wrdreg s21;
	(v2sf) =	vpush v35, $0xB;
	s26 =	spop (v2sf)  }
0x6e: {  	[dreg:$0xe] =	wrdreg s26  }
0x6f: {  	s0 =	smulhi.u32 $0x38E38E39, s26;
	s29 =	spop (v2sf)  }
0x70: {  	(v2sf) =	vpush v35, $0x5;
	[dreg:$0x10] =	wrdreg s29;
	s31 =	spop (v2sf)  }
0x71: {  	[dreg:$0xb] =	wrdreg s0;
	s0 =	smulhi.u32 $0x38E38E39, s29  }
0x72: {  	(v2sf) =	vpush v35, $0xE;
	[dreg:$0xc] =	wrdreg s31;
	s1 =	spop (v2sf)  }
0x73: {  	(v2sf) =	vpush v35, $0xA;
	[dreg:$0xd] =	wrdreg s1;
	s2 =	spop (v2sf)  }
0x74: {  	(v2sf) =	vpush v35, $0x4;
	[dreg:$0x6] =	wrdreg s0;
	s0 =	smulhi.u32 $0x38E38E39, s31  }
0x75: {  	[dreg:$0xf] =	wrdreg s2  }
0x76: {  	(v2sf) =	vpush v35, $0xD;
	[dreg:$0x9] =	wrdreg s0  }
0x77: {  	s0 =	smulhi.u32 $0x38E38E39, s1;
	s3 =	spop (v2sf)  }
0x78: {  	(v2sf) =	vpush v35, $0x9;
	s6 =	smulhi.u32 $0x55555556, s3;
	s7 =	spop (v2sf)  }
0x79: {  	[dreg:$0x7] =	wrdreg s0;
	s0 =	smulhi.u32 $0x38E38E39, s2  }
0x7a: {  	s15 =	smulhi.u32 $0x55555556, s7;
	s16 =	spop (v2sf)  }
0x7b: {  	(v2sf) =	vpush v35, $0x3;
	s2 =	sshra.s32 s3, $0x1F;
	[dreg:$0x12] =	wrdreg s6;
	s31 =	smulhi.u32 $0x55555556, s16  }
0x7c: {  	s3 =	sshra.s32 s7, $0x1F;
	s11 =	spop (v2sf);
	s2 =	smul.u32 $0x55555556, s2  }
0x7d: {  	(v2sf) =	vpush v35, $0xC;
	s3 =	smul.u32 $0x55555556, s3;
	[dreg:$0xa] =	wrdreg s0  }
0x7e: {  	s7 =	sshra.s32 s16, $0x1F;
	[dreg:$0x13] =	wrdreg s15;
	s1 =	smulhi.u32 $0x55555556, s11  }
0x7f: {  	(v2sf) =	vpush v35, $0x8;
	s23 =	spop (v2sf);
	s28 =	smul.u32 $0x55555556, s7  }
0x80: {  	s11 =	sshra.s32 s11, $0x1F;
	[dreg:$0x16] =	wrdreg s31;
	s5 =	smulhi.u32 $0x55555556, s23  }
0x81: {  	(v2sf) =	vpush v35, $0x2;
	s12 =	spop (v2sf);
	s7 =	smul.u32 $0x55555556, s11  }
0x82: {  	s19 =	smulhi.u32 $0x55555556, s12;
	s15 =	spop (v2sf)  }
0x83: {  	(v2sf) =	vpush v35, $0x1;
	s18 =	smulhi.u32 $0x55555556, s15;
	s20 =	spop (v2sf)  }
0x84: {  	[dreg:$0x14] =	wrdreg s5;
	s16 =	sshra.s32 s15, $0x1F;
	s6 =	smulhi.u32 $0x55555556, s20  }
0x85: {  	(v2sf) =	vpush v35, $0x0;
	s29 =	spop (v2sf);
	s5 =	smul.u32 $0x55555556, s16  }
0x86: {  	[dreg:$0x18] =	wrdreg s2;
	s20 =	sshra.s32 s20, $0x1F;
	s24 =	smulhi.u32 $0x55555556, s29  }
0x87: {  	s31 =	spop (v2sf);
	s2 =	sshra.s32 s29, $0x1F;
	s29 =	smul.u32 $0x55555556, s20  }
0x88: {  	[dreg:$0x19] =	wrdreg s3;
	s12 =	sshra.s32 s12, $0x1F;
	s26 =	smulhi.u32 $0x55555556, s31  }
0x89: {  	[dreg:$0x15] =	wrdreg s6;
	s6 =	smul.u32 $0x55555556, s12  }
0x8a: {  	p0 =	sne.s32 s8, $0xC0;
	s8 =	spop (v2sf);
	s2 =	smul.u32 $0x55555556, s2  }
0x8b: {  	[dreg:$0x17] =	wrdreg s1;
	s20 =	sshra.s32 s31, $0x1F;
	s17 =	smulhi.u32 $0x55555556, s8  }
0x8c: {  	s23 =	sshra.s32 s23, $0x1F;
	s10 =	spop (v2sf);
	s31 =	smul.u32 $0x55555556, s20  }
0x8d: {  	s5 =	sadd.s32 s5, s18;
	s8 =	sshra.s32 s8, $0x1F;
	s25 =	smulhi.u32 $0x55555556, s10  }
0x8e: {  	v33 =	vmov v40;
	s13 =	spop (v2sf);
	s10 =	sshra.s32 s10, $0x1F;
	s8 =	smul.u32 $0x55555556, s8  }
0x8f: {  	(v2sf) =	vpush v33, $0xE;
	s2 =	sadd.s32 s2, s24;
	s24 =	rddreg [dreg:$0x17];
	s21 =	smulhi.u32 $0x55555556, s13  }
0x90: {  	(v2sf) =	vpush v33, $0xA;
	s6 =	sadd.s32 s6, s19;
	s1 =	spop (v2sf);
	s10 =	smul.u32 $0x55555556, s10  }
0x91: {  	(v2sf) =	vpush v33, $0x4;
	s13 =	sshra.s32 s13, $0x1F;
	s31 =	sadd.s32 s31, s26;
	s22 =	smulhi.u32 $0x55555556, s1  }
0x92: {  	(v2sf) =	vpush v33, $0xD;
	s7 =	sadd.s32 s7, s24;
	s14 =	spop (v2sf);
	s13 =	smul.u32 $0x55555556, s13  }
0x93: {  	(v2sf) =	vpush v33, $0x9;
	s1 =	sshra.s32 s1, $0x1F;
	s8 =	sadd.s32 s8, s17;
	s17 =	rddreg [dreg:$0x14]  }
0x94: {  	s19 =	sshrl.u32 s31, $0x1F;
	s30 =	smulhi.u32 $0x55555556, s14;
	s0 =	spop (v2sf)  }
0x95: {  	s14 =	sshra.s32 s14, $0x1F;
	s10 =	sadd.s32 s10, s25;
	s1 =	smul.u32 $0x55555556, s1  }
0x96: {  	(v2sf) =	vpush v33, $0x3;
	s25 =	sshrl.u32 s6, $0x1F;
	s9 =	smulhi.u32 $0x55555556, s0;
	s0 =	sshra.s32 s0, $0x1F  }
0x97: {  	s13 =	sadd.s32 s13, s21;
	v47 =	vmov s10;
	s14 =	smul.u32 $0x55555556, s14;
	s10 =	sshrl.u32 s10, $0x1F  }
0x98: {  	s21 =	rddreg [dreg:$0x16];
	s0 =	smul.u32 $0x55555556, s0;
	v48 =	vmov s13;
	v36 =	vsel vm0, s2, v47;
	s13 =	sshrl.u32 s13, $0x1F  }
0x99: {  	v50 =	vmov s10;
	s2 =	sshrl.u32 s2, $0x1F;
	s1 =	sadd.s32 s1, s22;
	s22 =	rddreg [dreg:$0x13];
	v37 =	vsel vm0, s31, v48;
	v51 =	vmov s13  }
0x9a: {  	v36 =	vsel vm1, s6, v36;
	v39 =	vsel vm0, s2, v50;
	s31 =	smul.u32 $0x55555556, s23;
	s10 =	sshrl.u32 s1, $0x1F;
	s0 =	sadd.s32 s0, s9;
	v37 =	vsel vm1, s5, v37  }
0x9b: {  	s13 =	rddreg [dreg:$0x15];
	v40 =	vsel vm0, s19, v51;
	s5 =	sshrl.u32 s5, $0x1F;
	v39 =	vsel vm1, s25, v39;
	v49 =	vmov s0;
	s0 =	sshrl.u32 s0, $0x1F  }
0x9c: {  	s23 =	rddreg [dreg:$0x19];
	s9 =	sadd.s32 s14, s30;
	s19 =	sshrl.u32 s7, $0x1F;
	v37 =	vsel vm2, s7, v37;
	v40 =	vsel vm1, s5, v40;
	v41 =	vmov s0  }
0x9d: {  	s14 =	sshrl.u32 s8, $0x1F;
	s26 =	sshrl.u32 s9, $0x1F;
	v38 =	vnsel vm3, $0x0, v49;
	s0 =	sadd.s32 s28, s21;
	v40 =	vsel vm2, s19, v40;
	v41 =	vnsel vm3, $0x0, v41  }
0x9e: {  	s25 =	rddreg [dreg:$0x12];
	s18 =	sadd.s32 s31, s17;
	s15 =	spop (v2sf);
	v38 =	vsel vm0, s9, v38;
	v36 =	vsel vm2, s0, v36;
	v41 =	vsel vm0, s26, v41  }
0x9f: {  	s11 =	spop (v2sf);
	s0 =	sshrl.u32 s0, $0x1F;
	v36 =	vcombine.low v37, v36;
	v52 =	vsel vm1, s1, v38;
	s1 =	sadd.s32 s29, s13;
	v53 =	vsel vm1, s10, v41  }
0xa0: {  	s24 =	sshrl.u32 s18, $0x1F;
	s16 =	spop (v2sf);
	v39 =	vsel vm2, s0, v39;
	v37 =	vsel vm2, s8, v52;
	s21 =	sshrl.u32 s1, $0x1F;
	v38 =	vsel vm2, s14, v53  }
0xa1: {  	s26 =	rddreg [dreg:$0x18];
	s3 =	spop (v2sf);
	v39 =	vcombine.low v40, v39;
	v37 =	vsel vm4, s1, v37;
	s1 =	sadd.s32 s23, s22;
	v38 =	vsel vm4, s21, v38  }
0xa2: {  	s6 =	sadd.s32 s26, s25;
	s12 =	spop (v2sf);
	(v2sf) =	vpush v33, $0xC;
	v37 =	vsel vm5, s18, v37;
	s29 =	sshrl.u32 s1, $0x1F;
	v38 =	vsel vm5, s24, v38  }
0xa3: {  	s5 =	smulhi.u32 $0x38E38E39, s15;
	v36 =	vperm.xlane v36, v1;
	v37 =	vsel vm6, s1, v37;
	s1 =	sshrl.u32 s6, $0x1F;
	v38 =	vsel vm6, s29, v38  }
0xa4: {  	s15 =	sshra.s32 s15, $0x1F;
	s13 =	smulhi.u32 $0x38E38E39, s11;
	v39 =	vperm.xlane v39, v1;
	v37 =	vsel vm7, s6, v37;
	v38 =	vsel vm7, s1, v38  }
0xa5: {  	s15 =	smul.u32 $0x38E38E39, s15;
	s20 =	spop (v2sf);
	(v2sf) =	vpush v33, $0x8;
	v37 =	vperm.xlane v37, v2;
	v38 =	vperm.xlane v38, v2  }
0xa6: {  	v34 =	vshll.u32 v34, $0xA;
	s2 =	smulhi.u32 $0x38E38E39, s3  }
0xa7: {  	s7 =	rddreg [dreg:$0xe];
	s21 =	smulhi.u32 $0x38E38E39, s16;
	(v2sf) =	vpush v33, $0x2;
	v36 =	vsel vm8, v37, v36;
	v54 =	vsel vm8, v38, v39  }
0xa8: {  	v34 =	vadd.s32 v34, v35;
	s31 =	smov.u32 s16;
	s3 =	sshra.s32 s3, $0x1F;
	s16 =	smulhi.u32 $0x38E38E39, s12;
	v36 =	vadd.s32 v54, v36  }
0xa9: {  	s26 =	rddreg [dreg:$0x10];
	s3 =	smul.u32 $0x38E38E39, s3;
	(v2sf) =	vpush v33, $0x1;
	v37 =	vshll.u32 v36, $0x5;
	v36 =	vmul.u32 $0xFFFFFFFD, v36  }
0xaa: {  	s0 =	sshra.s32 s7, $0x1F;
	s8 =	smulhi.u32 $0x38E38E39, s20;
	s29 =	rddreg [dreg:$0x11];
	v34 =	vadd.s32 v37, v34  }
0xab: {  	s6 =	sshra.s32 s26, $0x1F;
	s26 =	rddreg [dreg:$0xc];
	(v2sf) =	vpush v33, $0x0;
	s1 =	smul.u32 $0x38E38E39, s0;
	v34 =	vadd.s32 v36, v34  }
0xac: {  	s0 =	sshra.s32 s26, $0x1F;
	s6 =	smul.u32 $0x38E38E39, s6;
	[tilespmem:s29+$0x1380] =	vst v34;
	s29 =	rddreg [dreg:$0xd]  }
0xad: {  	s7 =	rddreg [dreg:$0x8];
	s28 =	smul.u32 $0x38E38E39, s0;
	s0 =	sshra.s32 s29, $0x1F  }
0xae: {  	s30 =	smov.u32 s7;
	s29 =	sshra.s32 s11, $0x1F;
	s26 =	smul.u32 $0x38E38E39, s0  }
0xaf: {  	s7 =	rddreg [dreg:$0xf];
	s11 =	sshra.s32 s31, $0x1F;
	s29 =	smul.u32 $0x38E38E39, s29  }
0xb0: {  	s12 =	sshra.s32 s12, $0x1F;
	s0 =	sshra.s32 s7, $0x1F;
	s7 =	smul.u32 $0x38E38E39, s11  }
0xb1: {  	s20 =	sshra.s32 s20, $0x1F;
	s11 =	smul.u32 $0x38E38E39, s12  }
0xb2: {  	s12 =	smul.u32 $0x38E38E39, s20  }
0xb3: {  	s3 =	sadd.s32 s3, s2;
	s18 =	spop (v2sf);
	s0 =	smul.u32 $0x38E38E39, s0  }
0xb4: {  	s19 =	spop (v2sf);
	s22 =	smulhi.u32 $0x38E38E39, s18;
	s18 =	sshra.s32 s18, $0x1F  }
0xb5: {  	s11 =	sadd.s32 s11, s16;
	s16 =	rddreg [dreg:$0x9];
	s25 =	smulhi.u32 $0x38E38E39, s19  }
0xb6: {  	s24 =	spop (v2sf);
	s18 =	smul.u32 $0x38E38E39, s18;
	s19 =	sshra.s32 s19, $0x1F  }
0xb7: {  	s2 =	sadd.s32 s28, s16;
	s28 =	rddreg [dreg:$0xa];
	s10 =	smulhi.u32 $0x38E38E39, s24  }
0xb8: {  	s5 =	sadd.s32 s15, s5;
	s23 =	spop (v2sf);
	s19 =	smul.u32 $0x38E38E39, s19  }
0xb9: {  	s16 =	sshrl.u32 s11, $0x1F;
	s31 =	sshra.s32 s24, $0x1F;
	s17 =	smulhi.u32 $0x38E38E39, s23  }
0xba: {  	s9 =	spop (v2sf);
	s20 =	smul.u32 $0x38E38E39, s31;
	s23 =	sshra.s32 s23, $0x1F  }
0xbb: {  	s18 =	sadd.s32 s18, s22;
	s14 =	smulhi.u32 $0x38E38E39, s9;
	s9 =	sshra.s32 s9, $0x1F  }
0xbc: {  	s19 =	sadd.s32 s19, s25;
	s25 =	rddreg [dreg:$0xb];
	s22 =	smul.u32 $0x38E38E39, s23  }
0xbd: {  	s24 =	sshrl.u32 s18, $0x1F;
	v55 =	vmov s18;
	s9 =	smul.u32 $0x38E38E39, s9;
	s31 =	sshrl.u32 s19, $0x1F;
	v56 =	vmov s19  }
0xbe: {  	s18 =	sadd.s32 s29, s13;
	s23 =	sshrl.u32 s5, $0x1F;
	v57 =	vmov s24;
	v34 =	vsel vm0, s3, v55;
	v58 =	vmov s31;
	s31 =	sshrl.u32 s3, $0x1F  }
.Ltmp1:
0xbf: {  	s19 =	rddreg [dreg:$0x7];
	v35 =	vsel vm0, s11, v56;
	v62 =	vsel vm1, s5, v34;
	s9 =	sadd.s32 s9, s14;
	v36 =	vsel vm0, s31, v57;
	(pc) =	sbr.rel @p0 .LBB2_4-.Ltmp1, $4  }
0xc0: {  	s13 =	sshrl.u32 s18, $0x1F;
	s10 =	sadd.s32 s20, s10;
	v61 =	vsel vm0, s16, v58;
	v37 =	vsel vm1, s18, v35;
	s14 =	sshrl.u32 s9, $0x1F;
	v59 =	vmov s9  }
0xc1: {  	s3 =	sadd.s32 s26, s19;
	s26 =	rddreg [dreg:$0x6];
	s24 =	sadd.s32 s22, s17;
	v35 =	vsel vm2, s2, v62;
	v60 =	vmov s14;
	v38 =	vnsel vm3, $0x0, v59  }
0xc2: {  	s5 =	sadd.s32 s7, s21;
	s29 =	sshrl.u32 s24, $0x1F;
	s31 =	rddreg [dreg:$0x5];
	v36 =	vsel vm1, s23, v36;
	v39 =	vnsel vm3, $0x0, v60;
	v63 =	vsel vm0, s24, v38  }
0xc3: {  	s7 =	sadd.s32 s12, s8;
	v34 =	vsel vm1, s13, v61;
	s9 =	sshrl.u32 s10, $0x1F;
	s8 =	sadd.s32 $0x40, s31;
	v38 =	vsel vm0, s29, v39;
	v39 =	vsel vm1, s10, v63  }
0xc4: {  	s2 =	sshrl.u32 s2, $0x1F;
	v38 =	vsel vm1, s9, v38;
	s8 =	sshrl.u32 s7, $0x1F;
	v37 =	vsel vm2, s3, v37;
	v39 =	vsel vm2, s7, v39  }
0xc5: {  	s21 =	sshrl.u32 s3, $0x1F;
	s22 =	sshrl.u32 s5, $0x1F;
	s0 =	sadd.s32 s0, s28;
	v36 =	vsel vm2, s2, v36;
	v38 =	vsel vm2, s8, v38;
	v39 =	vsel vm4, s5, v39  }
0xc6: {  	s24 =	sadd.s32 s6, s26;
	v34 =	vsel vm2, s21, v34;
	s23 =	sshrl.u32 s0, $0x1F;
	v38 =	vsel vm4, s22, v38;
	v39 =	vsel vm5, s0, v39  }
0xc7: {  	s1 =	sadd.s32 s1, s25;
	s26 =	sshrl.u32 s24, $0x1F;
	v35 =	vcombine.low v37, v35;
	v38 =	vsel vm5, s23, v38;
	v48 =	vsel vm6, s24, v39  }
0xc8: {  	s28 =	sshrl.u32 s1, $0x1F;
	v34 =	vcombine.low v34, v36;
	v49 =	vsel vm6, s26, v38;
	v37 =	vsel vm7, s1, v48  }
0xc9: {  	v35 =	vperm.xlane v35, v1;
	v36 =	vsel vm7, s28, v49;
	v37 =	vperm.xlane v37, v2  }
0xca: {  	v34 =	vperm.xlane v34, v1;
	v36 =	vperm.xlane v36, v2  }
0xcb: {  	v35 =	vsel vm8, v37, v35  }
0xcc: {  	v34 =	vsel vm8, v36, v34;
	v35 =	vshra.s32 v35, $0x1  }
0xcd: {  	v34 =	vadd.s32 v34, v35  }
0xce: {  	v35 =	vmul.u32 $0xFFFFFFF7, v34;
	_ =	sdelay $0x1  }
0xcf: {  	v33 =	vadd.s32 v33, v35  }
0xd0: {  	(v2sf) =	vpush v33, $0x7  }
0xd1: {  	(v2sf) =	vpush v33, $0x6  }
0xd2: {  	(v2sf) =	vpush v33, $0xF  }
0xd3: {  	(v2sf) =	vpush v33, $0xB;
	_ =	sdelay $0x1  }
0xd4: {  	(v2sf) =	vpush v33, $0x5  }
0xd5: {  	(v2sf) =	vpush v33, $0xE  }
0xd6: {  	(v2sf) =	vpush v33, $0xA;
	_ =	sdelay $0x3  }
0xd7: {  	(v2sf) =	vpush v33, $0x4  }
0xd8: {  	(v2sf) =	vpush v33, $0xD  }
0xd9: {  	(v2sf) =	vpush v33, $0x9;
	_ =	sdelay $0x1  }
0xda: {  	(v2sf) =	vpush v33, $0x3;
	s0 =	spop (v2sf)  }
0xdb: {  	s1 =	spop (v2sf)  }
0xdc: {  	(v2sf) =	vpush v33, $0xC;
	s29 =	spop (v2sf)  }
0xdd: {  	(v2sf) =	vpush v33, $0x8;
	s6 =	spop (v2sf);
	s7 =	smulhi.u32 $0x55555556, s29  }
0xde: {  	s5 =	sshra.s32 s29, $0x1F;
	s9 =	smulhi.u32 $0x55555556, s6  }
0xdf: {  	(v2sf) =	vpush v33, $0x2;
	s2 =	spop (v2sf);
	s5 =	smul.u32 $0x55555556, s5;
	s6 =	sshra.s32 s6, $0x1F  }
0xe0: {  	s8 =	spop (v2sf);
	s6 =	smul.u32 $0x55555556, s6  }
0xe1: {  	(v2sf) =	vpush v33, $0x1;
	s10 =	spop (v2sf);
	s11 =	smulhi.u32 $0x55555556, s8  }
0xe2: {  	(v2sf) =	vpush v33, $0x0;
	s8 =	sshra.s32 s8, $0x1F;
	s12 =	smulhi.u32 $0x55555556, s10  }
0xe3: {  	s8 =	smul.u32 $0x55555556, s8  }
0xe4: {  	s10 =	sshra.s32 s10, $0x1F;
	s6 =	sadd.s32 s6, s9;
	s9 =	smulhi.u32 $0x55555556, s0  }
0xe5: {  	s3 =	spop (v2sf);
	s0 =	sshra.s32 s0, $0x1F;
	s10 =	smul.u32 $0x55555556, s10  }
0xe6: {  	s13 =	spop (v2sf);
	s0 =	smul.u32 $0x55555556, s0  }
0xe7: {  	s14 =	smulhi.u32 $0x55555556, s13;
	s15 =	spop (v2sf)  }
0xe8: {  	s13 =	sshra.s32 s13, $0x1F;
	s16 =	smulhi.u32 $0x55555556, s15  }
0xe9: {  	s17 =	spop (v2sf);
	s13 =	smul.u32 $0x55555556, s13  }
0xea: {  	s15 =	sshra.s32 s15, $0x1F;
	s18 =	smulhi.u32 $0x55555556, s17  }
0xeb: {  	s19 =	spop (v2sf);
	s15 =	smul.u32 $0x55555556, s15  }
0xec: {  	s20 =	smulhi.u32 $0x55555556, s19;
	s21 =	spop (v2sf)  }
0xed: {  	s19 =	sshra.s32 s19, $0x1F;
	s22 =	smulhi.u32 $0x55555556, s21  }
0xee: {  	s23 =	spop (v2sf);
	s19 =	smul.u32 $0x55555556, s19  }
0xef: {  	s21 =	sshra.s32 s21, $0x1F;
	s24 =	smulhi.u32 $0x55555556, s23  }
0xf0: {  	s5 =	sadd.s32 s5, s7;
	s21 =	smul.u32 $0x55555556, s21;
	s25 =	spop (v2sf)  }
0xf1: {  	s19 =	sadd.s32 s19, s20;
	s31 =	spop (v2sf);
	s29 =	smulhi.u32 $0x55555556, s25  }
0xf2: {  	s21 =	sadd.s32 s21, s22;
	s22 =	sshra.s32 s25, $0x1F;
	s20 =	smulhi.u32 $0x55555556, s31  }
0xf3: {  	s8 =	sadd.s32 s8, s11;
	s10 =	sadd.s32 s10, s12;
	s25 =	smul.u32 $0x55555556, s22  }
0xf4: {  	s13 =	sadd.s32 s13, s14;
	s28 =	sshra.s32 s31, $0x1F;
	s22 =	smulhi.u32 $0x55555556, s2  }
0xf5: {  	s15 =	sadd.s32 s15, s16;
	v52 =	vmov s21;
	s21 =	sshrl.u32 s21, $0x1F;
	s31 =	smul.u32 $0x55555556, s28  }
0xf6: {  	v50 =	vmov s19;
	s2 =	sshra.s32 s2, $0x1F;
	s28 =	sshra.s32 s23, $0x1F;
	s23 =	smulhi.u32 $0x55555556, s3  }
0xf7: {  	v35 =	vsel vm0, s13, v50;
	s13 =	sshrl.u32 s13, $0x1F;
	s3 =	sshra.s32 s3, $0x1F;
	s2 =	smul.u32 $0x55555556, s2  }
0xf8: {  	v53 =	vmov s21;
	v37 =	vsel vm0, s15, v52;
	v35 =	vsel vm1, s8, v35;
	s11 =	sadd.s32 s25, s29;
	s29 =	sshra.s32 s17, $0x1F;
	s17 =	sshrl.u32 s19, $0x1F  }
0xf9: {  	s8 =	sshrl.u32 s8, $0x1F;
	s12 =	smul.u32 $0x55555556, s28;
	v37 =	vsel vm1, s10, v37;
	v35 =	vsel vm2, s5, v35;
	s14 =	sadd.s32 s31, s20;
	v51 =	vmov s17  }
0xfa: {  	s3 =	smul.u32 $0x55555556, s3;
	s10 =	sshrl.u32 s10, $0x1F;
	v37 =	vsel vm2, s6, v37;
	v54 =	vmov s14;
	s14 =	sshrl.u32 s14, $0x1F;
	v36 =	vsel vm0, s13, v51  }
0xfb: {  	s31 =	smul.u32 $0x55555556, s29;
	s12 =	sadd.s32 s12, s24;
	s24 =	sshrl.u32 s15, $0x1F;
	v35 =	vcombine.low v37, v35;
	v40 =	vmov s14;
	v39 =	vnsel vm3, $0x0, v54  }
0xfc: {  	s5 =	sshrl.u32 s5, $0x1F;
	s20 =	smulhi.u32 $0x55555556, s1;
	v38 =	vsel vm0, s24, v53;
	v39 =	vsel vm0, s11, v39;
	v40 =	vnsel vm3, $0x0, v40;
	s11 =	sshrl.u32 s11, $0x1F  }
0xfd: {  	s1 =	sshra.s32 s1, $0x1F;
	s7 =	sadd.s32 s31, s18;
	v36 =	vsel vm1, s8, v36;
	s25 =	sshrl.u32 s12, $0x1F;
	v40 =	vsel vm0, s11, v40;
	v39 =	vsel vm1, s12, v39  }
0xfe: {  	s3 =	sadd.s32 s3, s23;
	s1 =	smul.u32 $0x55555556, s1;
	v38 =	vsel vm1, s10, v38;
	s26 =	sshrl.u32 s7, $0x1F;
	v40 =	vsel vm1, s25, v40;
	v39 =	vsel vm2, s7, v39  }
0xff: {  	s2 =	sadd.s32 s2, s22;
	s29 =	sshrl.u32 s6, $0x1F;
	s28 =	sshrl.u32 s3, $0x1F;
	v36 =	vsel vm2, s5, v36;
	v40 =	vsel vm2, s26, v40;
	v39 =	vsel vm4, s3, v39  }
0x100: {  	s31 =	sshrl.u32 s2, $0x1F;
	s1 =	sadd.s32 s1, s20;
	v38 =	vsel vm2, s29, v38;
	v40 =	vsel vm4, s28, v40;
	v39 =	vsel vm5, s2, v39  }
0x101: {  	s0 =	sadd.s32 s0, s9;
	v36 =	vcombine.low v38, v36;
	v40 =	vsel vm5, s31, v40;
	v55 =	vsel vm6, s1, v39;
	s1 =	sshrl.u32 s1, $0x1F  }
0x102: {  	v56 =	vsel vm6, s1, v40;
	v37 =	vsel vm7, s0, v55;
	s0 =	sshrl.u32 s0, $0x1F  }
0x103: {  	v35 =	vperm.xlane v35, v1;
	v36 =	vperm.xlane v36, v1;
	v38 =	vsel vm7, s0, v56  }
0x104: {  	v37 =	vperm.xlane v37, v2;
	v38 =	vperm.xlane v38, v2;
	_ =	sdelay $0x1  }
0x105: {  	v35 =	vsel vm8, v37, v35;
	v36 =	vsel vm8, v38, v36  }
0x106: {  	v34 =	vshll.u32 v34, $0xA;
	v35 =	vadd.s32 v36, v35  }
0x107: {  	v33 =	vadd.s32 v34, v33;
	v36 =	vshll.u32 v35, $0x5;
	v35 =	vmul.u32 $0xFFFFFFFD, v35  }
0x108: {  	v33 =	vadd.s32 v36, v33  }
0x109: {  	v33 =	vadd.s32 v35, v33  }
0x10a: {  	s13 =	simm.s32 $0xC80;
	[tilespmem:s30+$0x1380] =	vst v33  }
0x10b: {  	v33 =	vld.idx.msk [tilespmem:v3+s13+$0x0], $0xffff  }
0x10c: {  	v57 =	vld.idx.msk [tilespmem:v4+s13+$0x0], $0xffff  }
0x10d: {  	v58 =	vld.idx.msk [tilespmem:v5+s13+$0x0], $0xffff  }
0x10e: {  	v59 =	vld.idx.msk [tilespmem:v6+s13+$0x0], $0xffff  }
0x10f: {  	v60 =	vld.idx.msk [tilespmem:v10+s13+$0x0], $0xffff  }
0x110: {  	v61 =	vld.idx.msk [tilespmem:v7+s13+$0x0], $0xffff  }
0x111: {  	v62 =	vld.idx.msk [tilespmem:v11+s13+$0x0], $0xffff  }
0x112: {  	v63 =	vld.idx.msk [tilespmem:v8+s13+$0x0], $0xffff  }
0x113: {  	v41 =	vld.idx.msk [tilespmem:v12+s13+$0x0], $0xffff;
	v33 =	vadd.f32 $0.0e+00, v33;
	v34 =	vadd.f32 $0.0e+00, v57  }
0x114: {  	v42 =	vld.idx.msk [tilespmem:v9+s13+$0x0], $0xffff;
	v36 =	vadd.f32 $0.0e+00, v59;
	v37 =	vadd.f32 $0.0e+00, v60  }
0x115: {  	v45 =	vld.idx.msk [tilespmem:v13+s13+$0x0], $0xffff;
	v34 =	vadd.f32 v58, v34;
	v33 =	vadd.f32 v58, v33  }
0x116: {  	v36 =	vadd.f32 v61, v36;
	v37 =	vadd.f32 v62, v37  }
0x117: {  	v46 =	vld.idx.msk [tilespmem:v14+s13+$0x0], $0xffff;
	v33 =	vadd.f32 v61, v33;
	v34 =	vadd.f32 v63, v34  }
0x118: {  	v36 =	vadd.f32 v63, v36;
	v37 =	vadd.f32 v41, v37  }
0x119: {  	v47 =	vld.idx.msk [tilespmem:v15+s13+$0x0], $0xffff;
	v34 =	vadd.f32 v42, v34;
	v33 =	vadd.f32 v42, v33  }
0x11a: {  	v48 =	vld.idx.msk [tilespmem:v16+s13+$0x0], $0xffff;
	v36 =	vadd.f32 v42, v36;
	v37 =	vadd.f32 v45, v37  }
0x11b: {  	v33 =	vadd.f32 v62, v33;
	v34 =	vadd.f32 v41, v34  }
0x11c: {  	v49 =	vld.idx.msk [tilespmem:v17+s13+$0x0], $0xffff;
	v37 =	vadd.f32 v46, v37;
	v36 =	vadd.f32 v46, v36  }
0x11d: {  	v34 =	vadd.f32 v45, v34;
	v33 =	vadd.f32 v45, v33  }
0x11e: {  	v50 =	vadd.f32 v47, v37;
	v36 =	vadd.f32 v47, v36  }
0x11f: {  	v33 =	vadd.f32 v47, v33;
	v34 =	vadd.f32 v48, v34  }
0x120: {  	v35 =	vadd.f32 v48, v50;
	v36 =	vadd.f32 v48, v36  }
0x121: {  	v34 =	vadd.f32 v49, v34;
	v33 =	vadd.f32 v49, v33  }
0x122: {  	v35 =	vadd.f32 v49, v35  }
0x123: {  	v36 =	vadd.f32 v49, v36;
	v33 =	vsub.f32 v33, v34;
	_ =	sdelay $0x1  }
0x124: {  	v34 =	vsub.f32 v34, v35;
	v33 =	vsub.f32 v33, v36  }
0x125: {  	[tilespmem:$0x1300] =	vst v35;
	v36 =	vsub.f32 v36, v35  }
0x126: {  	[tilespmem:$0x1320] =	vst v34;
	v33 =	vadd.f32 v33, v35  }
0x127: {  	[tilespmem:$0x1340] =	vst v36  }
0x128: {  	[tilespmem:$0x1360] =	vst v33  }
0x129: {  	v33 =	vld.idx.msk [tilespmem:v18+s13+$0x0], $0xffff  }
0x12a: {  	v34 =	vld.idx.msk [tilespmem:v19+s13+$0x0], $0xffff  }
0x12b: {  	v51 =	vld.idx.msk [tilespmem:v20+s13+$0x0], $0xffff  }
0x12c: {  	v36 =	vld.idx.msk [tilespmem:v21+s13+$0x0], $0xffff  }
0x12d: {  	v52 =	vld.idx.msk [tilespmem:v25+s13+$0x0], $0xffff  }
0x12e: {  	v53 =	vld.idx.msk [tilespmem:v22+s13+$0x0], $0xffff  }
0x12f: {  	v54 =	vld.idx.msk [tilespmem:v26+s13+$0x0], $0xffff  }
0x130: {  	v55 =	vld.idx.msk [tilespmem:v23+s13+$0x0], $0xffff  }
0x131: {  	v56 =	vld.idx.msk [tilespmem:v27+s13+$0x0], $0xffff;
	v33 =	vadd.f32 $0.0e+00, v33;
	v34 =	vadd.f32 $0.0e+00, v34  }
0x132: {  	v57 =	vld.idx.msk [tilespmem:v24+s13+$0x0], $0xffff;
	v36 =	vadd.f32 $0.0e+00, v36;
	v37 =	vadd.f32 $0.0e+00, v52  }
0x133: {  	v58 =	vld.idx.msk [tilespmem:v28+s13+$0x0], $0xffff;
	v34 =	vadd.f32 v51, v34;
	v33 =	vadd.f32 v51, v33  }
0x134: {  	v36 =	vadd.f32 v53, v36;
	v37 =	vadd.f32 v54, v37  }
0x135: {  	v59 =	vld.idx.msk [tilespmem:v29+s13+$0x0], $0xffff;
	v33 =	vadd.f32 v53, v33;
	v34 =	vadd.f32 v55, v34  }
0x136: {  	v36 =	vadd.f32 v55, v36;
	v37 =	vadd.f32 v56, v37  }
0x137: {  	v60 =	vld.idx.msk [tilespmem:v30+s13+$0x0], $0xffff;
	v34 =	vadd.f32 v57, v34;
	v33 =	vadd.f32 v57, v33  }
0x138: {  	v61 =	vld.idx.msk [tilespmem:v31+s13+$0x0], $0xffff;
	v36 =	vadd.f32 v57, v36;
	v37 =	vadd.f32 v58, v37  }
0x139: {  	v33 =	vadd.f32 v54, v33;
	v34 =	vadd.f32 v56, v34  }
0x13a: {  	v62 =	vld.idx.msk [tilespmem:v32+s13+$0x0], $0xffff;
	v37 =	vadd.f32 v59, v37;
	v36 =	vadd.f32 v59, v36  }
0x13b: {  	v34 =	vadd.f32 v58, v34;
	v33 =	vadd.f32 v58, v33  }
0x13c: {  	v63 =	vadd.f32 v60, v37;
	v36 =	vadd.f32 v60, v36  }
0x13d: {  	v33 =	vadd.f32 v60, v33;
	v34 =	vadd.f32 v61, v34  }
0x13e: {  	v35 =	vadd.f32 v61, v63;
	v36 =	vadd.f32 v61, v36  }
0x13f: {  	v34 =	vadd.f32 v62, v34;
	v33 =	vadd.f32 v62, v33  }
0x140: {  	v35 =	vadd.f32 v62, v35  }
0x141: {  	v36 =	vadd.f32 v62, v36;
	v33 =	vsub.f32 v33, v34;
	_ =	sdelay $0x1  }
0x142: {  	s9 =	rddreg [dreg:$0x1a];
	v34 =	vsub.f32 v34, v35;
	v33 =	vsub.f32 v33, v36  }
0x143: {  	s16 =	simm.s32 $0x400;
	s19 =	simm.s32 $0x1400;
	s8 =	rddreg [dreg:$0x3];
	[tilespmem:$0x1310] =	vst v35;
	v36 =	vsub.f32 v36, v35  }
0x144: {  	s17 =	simm.s32 $0x1300;
	s15 =	simm.s32 $0x80;
	s10 =	rddreg [dreg:$0x1c];
	[tilespmem:$0x1330] =	vst v34;
	v33 =	vadd.f32 v33, v35  }
0x145: {  	s14 =	simm.s32 $0x1;
	s18 =	simm.s32 $0x1380;
	s11 =	rddreg [dreg:$0x1d];
	[tilespmem:$0x1350] =	vst v36  }
0x146: {  	s12 =	rddreg [dreg:$0x1e];
	s1 =	simm.s32 $0x0;
	s0 =	simm.s32 $0x0;
	[tilespmem:$0x1370] =	vst v33  }
.LBB2_6:
0x147: {  	s2 =	sshll.u32 s1, $0x7  }
0x148: {  	s2 =	sadd.s32 s10, s2  }
0x149: {  	s3 =	sadd.s32 s11, s2  }
0x14a: {  	s3 =	sshrl.u32 s3, $0x3  }
0x14b: {  	s3 =	sadd.s32 s9, s3  }
0x14c: {  	[tilespmem:s0], [sflag:$0x1] =	stream.strided.gather [hbm4b:s3+s15], $0xC00, s16, s15, $0x38;
	[tilespmem:$0x8500] =	vst v63  }
0x14d: {  	_ =	swait.ge [sflag:s14], $0xC00  }
0x14e: {  	[sflag:s14] =	ssyncset.done $0x0  }
0x14f: {  	s5 =	simm.s32 $0x0;
	s3 =	simm.s32 $0x1400;
	[sflag:s14] =	ssyncadd.s32 $0xFFFFF400  }
.LBB2_7:
0x150: {  	v33 =	vmov s5  }
0x151: {  	v39 =	vor.u32 $0x20, v33  }
0x152: {  	v34 =	vor.u32 $0x40, v33  }
0x153: {  	v38 =	vor.u32 $0x60, v33;
	_ =	sdelay $0x1  }
0x154: {  	v35 =	vld.idx.msk [tilespmem:v33+s17+$0x0], $0xffff  }
0x155: {  	v37 =	vld.idx.msk [tilespmem:v39+s17+$0x0], $0xffff  }
0x156: {  	v36 =	vld.idx.msk [tilespmem:v34+s17+$0x0], $0xffff  }
0x157: {  	v34 =	vld.idx.msk [tilespmem:v38+s17+$0x0], $0xffff  }
0x158: {  	v38 =	vld.idx.msk [tilespmem:v33+s18+$0x0], $0xffff  }
0x159: {  	s6 =	simm.s32 $0x0;
	s7 =	simm.s32 $0x40;
	v39 =	vld.idx.msk [tilespmem:v39+s18+$0x0], $0xffff;
	v33 =	vmov s3  }
.LBB2_8:
0x15a: {  	p0 =	sne.s32 s7, $0xE00;
	v40 =	vld [tilespmem:s6+$0xF00];
	_ =	sdelay $0x4  }
0x15b: {  	v41 =	vadd.s32 v38, v40;
	_ =	sdelay $0x1  }
0x15c: {  	v40 =	vadd.s32 v39, v40;
	_ =	sdelay $0x2  }
0x15d: {  	v41 =	vld.idx.msk [tilespmem:v41+s4+$0x0], $0xffff;
	_ =	sdelay $0x1  }
0x15e: {  	v40 =	vld.idx.msk [tilespmem:v40+s4+$0x0], $0xffff;
	_ =	sdelay $0x3  }
0x15f: {  	v42 =	vmul.f32 v41, v37;
	_ =	sdelay $0x1  }
0x160: {  	v42 =	vadd.f32 v42, v35;
	v43 =	vmul.f32 v40, v36;
	v40 =	vmul.f32 v40, v41;
	_ =	sdelay $0x1  }
.Ltmp2:
0x161: {  	v41 =	vadd.f32 v43, v42;
	v40 =	vmul.f32 v40, v34;
	(pc) =	sbr.rel @p0 .LBB2_8-.Ltmp2, $3  }
0x162: {  	_ = 	snop  }
0x163: {  	v40 =	vadd.f32 v40, v41;
	_ =	sdelay $0x1  }
0x164: {  	[tilespmem:v33+s6+$0x0 ss:$0x1] =	vst.idx.msk $0xffff, v40;
	s6 =	sshra.s32 s7, $0x2;
	s7 =	sadd.s32 $0x40, s7  }
0x165: {  	v40 =	vld [tilespmem:s6+$0xF00];
	_ =	sdelay $0x4  }
0x166: {  	v38 =	vadd.s32 v38, v40;
	_ =	sdelay $0x1  }
0x167: {  	v39 =	vadd.s32 v39, v40;
	_ =	sdelay $0x2  }
0x168: {  	v38 =	vld.idx.msk [tilespmem:v38+s4+$0x0], $0xffff;
	_ =	sdelay $0x1  }
0x169: {  	v39 =	vld.idx.msk [tilespmem:v39+s4+$0x0], $0xffff;
	_ =	sdelay $0x2  }
0x16a: {  	v37 =	vmul.f32 v38, v37;
	_ =	sdelay $0x1  }
0x16b: {  	s5 =	sadd.s32 $0x1, s5;
	v36 =	vmul.f32 v39, v36;
	v63 =	vmul.f32 v39, v38;
	v35 =	vadd.f32 v37, v35  }
0x16c: {  	p0 =	sne.s32 s5, $0x20  }
.Ltmp3:
0x16d: {  	v34 =	vmul.f32 v63, v34;
	v35 =	vadd.f32 v36, v35;
	(pc) =	sbr.rel @p0 .LBB2_7-.Ltmp3, $3  }
0x16e: {  	_ = 	snop  }
0x16f: {  	v34 =	vadd.f32 v34, v35;
	_ =	sdelay $0x1  }
0x170: {  	s3 =	sadd.s32 $0x384, s3;
	[tilespmem:v33+s6+$0x0 ss:$0x1] =	vst.idx.msk $0xffff, v34  }
0x171: {  	s2 =	sadd.s32 s12, s2;
	s1 =	sadd.s32 $0x1, s1  }
0x172: {  	s2 =	sshrl.u32 s2, $0x3;
	p0 =	sne.s32 s1, $0x4  }
.Ltmp4:
0x173: {  	s2 =	sadd.s32 s8, s2;
	(pc) =	sbr.rel @p0 .LBB2_6-.Ltmp4, $4  }
0x174: {  	[hbm4b:s2+s15] =	stream.strided.scatter [tilespmem:s19], [sflag:$0x1], $0x7080, s16, s15, $0x38;
	[tilespmem:$0x8500] =	vst v63  }
0x175: {  	_ =	swait.ge [sflag:s14], $0x7080  }
0x176: {  	[sflag:s14] =	ssyncset.done $0x0  }
0x177: {  	[sflag:s14] =	ssyncadd.s32 $0xFFFF8F80  }
0x178: {  	s1 =	sld [smem:$0x7FD];
	_ =	sdelay $0x2  }
0x179: {  	s0 =	rddreg [dreg:$0x1f];
	s1 =	sadd.s32 $0x1, s1  }
0x17a: {  	p0 =	sne.s32 s1, s0  }
.Ltmp5:
0x17b: {  	_ = 	snop;
	(pc) =	sbr.rel @p0 .LBB2_1-.Ltmp5, $1  }
0x17c: {  	_ =	sdelay $0x3  }
0x17d: {  	_ =	sfence.sel $0x180000  }
0x17e: {  	[bflag:$0x0] =	sbarrier.arrive $0xFFFF  }
0x17f: {  	_ =	strace $0x90000047  }
0x180: {  	s0 =	stileid.u32;
	[bflag:$0x2] =	sbarrier.arrive $0xFFFF  }
0x181: {  	p0 =	sne.s32 s0, $0x0;
	s0 =	rddreg [dreg:$0x4]  }
0x182: {  	s0 =	sadd.s32 @!p0 $0x100000, s0  }
0x183: {  	[sflag:s0] =	ssyncadd.tile.s32 @!p0 $0x1;
	_ =	shalt  }
.Lfunc_end2:
_tile_overlayer_lowered:
.L_overlay_start_2:
0x184: {  	(tag) =	ssettag $0x2  }
0x185: {  	s0 =	rddreg [dreg:$0x0];
	s2 =	stileid.u32  }
0x186: {  	s1 =	rddreg [dreg:$0x1];
	p0 =	sne.s32 s2, $0x0  }
0x187: {  	s3 =	rddreg [dreg:$0x2];
	[bflag:$0x3] =	sbarrier.arrive $0xFFFF;
	s2 =	simm.s32 @!p0 $0x1C01  }
0x188: {  	[timem:s3], [sflag:s2] =	dma.local @!p0 [hbm:s0], s1  }
0x189: {  	s0 =	simm.s32 @!p0 $0x1  }
0x18a: {  	_ =	swait.ge @!p0 [sflag:s0], s1  }
0x18b: {  	s1 =	ssub.s32 @!p0 $0x0, s1;
	[sflag:s0] =	ssyncset.done @!p0 $0x0  }
0x18c: {  	[sflag:s0] =	ssyncadd.s32 @!p0 s1  }
0x18d: {  	[bflag:$0x3] =	sbarrier.arrive $0xFFFF  }
0x18e: {  	_ =	shalt  }

</sc_bundles>
